<compile_context>
chip_gen: v7x
topology: tpu7x:2x2x1
jax: 0.10.2.dev20260603
libtpu: 0.0.44.dev20260713+nightly
codegen_flags: <defaults>
</compile_context>

<pallas_src>
import functools

import jax
import jax.numpy as jnp
from jax import lax
from jax.experimental import pallas as pl
from jax.experimental.pallas import tpu as pltpu
from jax.experimental.pallas import tpu_sc as plsc

N_NODES = 10000
N_EDGES = 320000
D_FEAT = 128
EMBED_DIM = 128

NC = 2
NS = 16
NW = NC * NS
K = 64
NCH = 160
EPAD = NW * NCH * K
NPAD = N_NODES
ROWS_PT = NPAD // NS
CW = 8
NPE = EPAD - N_EDGES
CZR = 2000


def _sc_body(x_hbm, srcr, dstr, rid, cz, agg_out, cnt_out,
             ids_v, src_v, dst_v, rows0, rows1, ones_v, sem0, sem1,
             acc_sh, cnt_sh):
    c = lax.axis_index("c")
    s = lax.axis_index("s")
    w = c * NS + s

    def zvec(i, carry):
        rows0[i // 8, pl.ds((i % 8) * 16, 16)] = jnp.zeros((16,), jnp.float32)
        return carry
    lax.fori_loop(0, K * 8, zvec, 0)

    def zcp(j, carry):
        pltpu.sync_copy(rows0, acc_sh.at[pl.ds(s * ROWS_PT + j * K, K)])
        return carry
    lax.fori_loop(0, ROWS_PT // K, zcp, 0)
    pltpu.sync_copy(rows0.at[pl.ds(0, ROWS_PT - (ROWS_PT // K) * K)],
                    acc_sh.at[pl.ds(s * ROWS_PT + (ROWS_PT // K) * K,
                                    ROWS_PT - (ROWS_PT // K) * K)])

    pltpu.sync_copy(cz.at[pl.ds(0, K)], ones_v)
    @pl.when(s < NPAD // CZR)
    def _():
        pltpu.sync_copy(cz.at[pl.ds(K, CZR)],
                        cnt_sh.at[pl.ds(s * CZR, CZR)])

    pltpu.sync_copy(rid.at[w], ids_v)
    pltpu.async_copy(srcr.at[ids_v.at[0]], src_v.at[pl.ds(0, NCH // 2)],
                     sem0).wait()
    pltpu.async_copy(srcr.at[ids_v.at[1]], src_v.at[pl.ds(NCH // 2, NCH // 2)],
                     sem0).wait()
    pltpu.async_copy(dstr.at[ids_v.at[0]], dst_v.at[pl.ds(0, NCH // 2)],
                     sem0).wait()
    pltpu.async_copy(dstr.at[ids_v.at[1]], dst_v.at[pl.ds(NCH // 2, NCH // 2)],
                     sem0).wait()
    plsc.subcore_barrier()

    pltpu.make_async_copy(x_hbm.at[src_v.at[0]], rows0, sem0).start()

    def pair(i, carry):
        j = 2 * i
        pltpu.make_async_copy(x_hbm.at[src_v.at[j + 1]], rows1, sem1).start()
        pltpu.make_async_copy(x_hbm.at[src_v.at[j]], rows0, sem0).wait()
        pltpu.sync_copy(rows0, acc_sh.at[dst_v.at[j]], add=True)
        pltpu.sync_copy(ones_v, cnt_sh.at[dst_v.at[j]], add=True)
        pltpu.make_async_copy(x_hbm.at[src_v.at[j + 2]], rows0, sem0).start()
        pltpu.make_async_copy(x_hbm.at[src_v.at[j + 1]], rows1, sem1).wait()
        pltpu.sync_copy(rows1, acc_sh.at[dst_v.at[j + 1]], add=True)
        pltpu.sync_copy(ones_v, cnt_sh.at[dst_v.at[j + 1]], add=True)
        return carry

    lax.fori_loop(0, NCH // 2 - 1, pair, 0)
    pltpu.make_async_copy(x_hbm.at[src_v.at[NCH - 1]], rows1, sem1).start()
    pltpu.make_async_copy(x_hbm.at[src_v.at[NCH - 2]], rows0, sem0).wait()
    pltpu.sync_copy(rows0, acc_sh.at[dst_v.at[NCH - 2]], add=True)
    pltpu.sync_copy(ones_v, cnt_sh.at[dst_v.at[NCH - 2]], add=True)
    pltpu.make_async_copy(x_hbm.at[src_v.at[NCH - 1]], rows1, sem1).wait()
    pltpu.sync_copy(rows1, acc_sh.at[dst_v.at[NCH - 1]], add=True)
    pltpu.sync_copy(ones_v, cnt_sh.at[dst_v.at[NCH - 1]], add=True)

    plsc.subcore_barrier()
    pltpu.sync_copy(acc_sh.at[pl.ds(s * ROWS_PT, ROWS_PT)],
                    agg_out.at[c, pl.ds(s * ROWS_PT, ROWS_PT)])
    @pl.when(s < NPAD // CZR)
    def _():
        pltpu.sync_copy(cnt_sh.at[pl.ds(s * CZR, CZR)],
                        cnt_out.at[c, pl.ds(s * CZR, CZR)])


@functools.cache
def _sc_agg():
    return pl.kernel(
        _sc_body,
        out_type=(jax.ShapeDtypeStruct((NC, NPAD, D_FEAT), jnp.float32),
                  jax.ShapeDtypeStruct((NC, NPAD, CW), jnp.float32)),
        mesh=plsc.VectorSubcoreMesh(core_axis_name="c", subcore_axis_name="s",
                                    num_cores=NC, num_subcores=NS),
        scratch_types=[
            pltpu.VMEM((2, NCH // 2), jnp.int32),
            pltpu.VMEM((NCH, K), jnp.int32),
            pltpu.VMEM((NCH, K), jnp.int32),
            pltpu.VMEM((K, D_FEAT), jnp.float32),
            pltpu.VMEM((K, D_FEAT), jnp.float32),
            pltpu.VMEM((K, CW), jnp.float32),
            pltpu.SemaphoreType.DMA,
            pltpu.SemaphoreType.DMA,
            pltpu.VMEM_SHARED((NPAD, D_FEAT), jnp.float32),
            pltpu.VMEM_SHARED((NPAD, CW), jnp.float32),
        ],
        compiler_params=pltpu.CompilerParams(use_tc_tiling_on_sc=False),
    )


_TC_B = 1024


def _tc_body(x_ref, agg_ref, cnt_ref, w_ref, o_ref):
    a = agg_ref[0] + agg_ref[1]
    cnt = cnt_ref[0, :, 0:1] + cnt_ref[1, :, 0:1]
    rid = lax.broadcasted_iota(jnp.int32, (_TC_B, 1), 0)
    m = jnp.where((rid == 0) & (pl.program_id(0) == 0), float(NPE), 0.0)
    a = a - m * x_ref[...]
    cnt = cnt - m
    neigh = a / jnp.maximum(cnt, 1.0)
    w1 = w_ref[:, :D_FEAT]
    w2 = w_ref[:, D_FEAT:]
    dn = (((1,), (1,)), ((), ()))
    o = lax.dot_general(w1, x_ref[...], dn,
                        preferred_element_type=jnp.float32,
                        precision=lax.Precision.HIGHEST)
    o = o + lax.dot_general(w2, neigh, dn,
                            preferred_element_type=jnp.float32,
                            precision=lax.Precision.HIGHEST)
    o_ref[...] = jnp.maximum(o, 0.0)


def _tc_combine(x, agg, cntv, W):
    grid = (pl.cdiv(N_NODES, _TC_B),)
    return pl.pallas_call(
        _tc_body,
        grid=grid,
        in_specs=[
            pl.BlockSpec((_TC_B, D_FEAT), lambda i: (i, 0)),
            pl.BlockSpec((NC, _TC_B, D_FEAT), lambda i: (0, i, 0)),
            pl.BlockSpec((NC, _TC_B, CW), lambda i: (0, i, 0)),
            pl.BlockSpec((EMBED_DIM, 2 * D_FEAT), lambda i: (0, 0)),
        ],
        out_specs=pl.BlockSpec((EMBED_DIM, _TC_B), lambda i: (0, i)),
        out_shape=jax.ShapeDtypeStruct((EMBED_DIM, N_NODES), jnp.float32),
    )(x, agg, cntv, W)


def kernel(x, edge_index, W):
    zpad = jnp.zeros((NPE,), jnp.int32)
    src = jnp.concatenate([edge_index[0], zpad]).reshape(EPAD // K, K)
    dst = jnp.concatenate([edge_index[1], zpad]).reshape(EPAD // K, K)
    rid = jnp.arange(NW * NCH, dtype=jnp.int32).reshape(NW, 2, NCH // 2)
    cz = jnp.concatenate(
        [jnp.ones((K, CW), jnp.float32),
         jnp.zeros((CZR, CW), jnp.float32)], axis=0)
    agg, cntv = _sc_agg()(x, src, dst, rid, cz)
    return _tc_combine(x, agg, cntv, W)

# --- scband reference (transcript-rebuilt; emitter-appended) ---
"""Pipeline reference for scband-inter-amazon-76879914598412 (READ-ONLY COPY).

The authoritative reference and input builder live on the scoring server;
editing this copy changes nothing except your own understanding.
"""

import jax, jax.numpy as jnp
import numpy as np

N_NODES = 10000
N_EDGES = 320000
D_FEAT = 128
EMBED_DIM = 128


def setup_inputs(seed: int = 0) -> dict:
    key = jax.random.key(seed)
    k1, k2, k3 = jax.random.split(key, 3)
    x = jax.random.normal(k1, (N_NODES, D_FEAT), dtype=jnp.float32)
    edge_index = jax.random.randint(k2, (2, N_EDGES), 0, N_NODES, dtype=jnp.int32)
    # Encoder weight: [embed_dim, 2*feat_dim] (non-gcn GraphSAGE concat variant), xavier-ish init
    limit = float(np.sqrt(6.0 / (EMBED_DIM + 2 * D_FEAT)))
    W = jax.random.uniform(k3, (EMBED_DIM, 2 * D_FEAT), minval=-limit, maxval=limit, dtype=jnp.float32)
    return {"x": x, "edge_index": edge_index, "W": W}


def reference(x, edge_index, W):
    # Faithful jax translation of the MeanAggregator + Encoder message-passing core
    # of the InterAmazon GraphSAGE model:
    #   1. gather neighbor (src) features over sampled edges
    #   2. mean-reduce messages into dst nodes (mask.div(num_neigh); mask.mm(embed_matrix))
    #   3. concat self features with aggregated neighbor features
    #   4. combined = relu(W @ combined.T)
    N = x.shape[0]
    src = edge_index[0]
    dst = edge_index[1]
    msgs = jnp.take(x, src, axis=0)  # gather: [E, d]
    agg = jax.ops.segment_sum(msgs, dst, num_segments=N)  # scatter-add: [N, d]
    cnt = jax.ops.segment_sum(jnp.ones((msgs.shape[0],), dtype=x.dtype), dst, num_segments=N)
    neigh_feats = agg / jnp.clip(cnt, 1.0)[:, None]  # mean aggregation
    combined = jnp.concatenate([x, neigh_feats], axis=1)  # self + neighbor concat: [N, 2d]
    out = jax.nn.relu(W @ combined.T)  # [embed_dim, N], matches Encoder.forward
    return out

if __name__ == "__main__":
    import jax
    _d = setup_inputs()
    print(jax.jit(kernel)(*tuple(_d.values())))

</pallas_src>

<mosaic_0001>
#map = affine_map<(d0, d1) -> (0, 0)>
#map1 = affine_map<(d0, d1) -> (0, 0, 0)>
module attributes {stable_mosaic.version = 14 : i64} {
  func.func @_sc_body(%arg0: i32, %arg1: i32, %arg2: memref<10000x128xf32, #tpu.memory_space<hbm>>, %arg3: memref<5120x64xi32, #tpu.memory_space<hbm>>, %arg4: memref<5120x64xi32, #tpu.memory_space<hbm>>, %arg5: memref<32x2x80xi32, #tpu.memory_space<hbm>>, %arg6: memref<2064x8xf32, #tpu.memory_space<hbm>>, %arg7: memref<2x10000x128xf32, #tpu.memory_space<hbm>>, %arg8: memref<2x10000x8xf32, #tpu.memory_space<hbm>>, %arg9: memref<2x80xi32, #tpu.memory_space<vmem>>, %arg10: memref<160x64xi32, #tpu.memory_space<vmem>>, %arg11: memref<160x64xi32, #tpu.memory_space<vmem>>, %arg12: memref<64x128xf32, #tpu.memory_space<vmem>>, %arg13: memref<64x128xf32, #tpu.memory_space<vmem>>, %arg14: memref<64x8xf32, #tpu.memory_space<vmem>>, %arg15: memref<!tpu.dma_semaphore, #tpu.memory_space<semaphore_mem>>, %arg16: memref<!tpu.dma_semaphore, #tpu.memory_space<semaphore_mem>>, %arg17: memref<10000x128xf32, #tpu.memory_space<vmem_shared>>, %arg18: memref<10000x8xf32, #tpu.memory_space<vmem_shared>>) attributes {dimension_semantics = [#tpu.dimension_semantics<core_parallel>, #tpu.dimension_semantics<subcore_parallel>], iteration_bounds = array<i64: 2, 16>, scalar_prefetch = 0 : i64, scratch_operands = 10 : i64, tpu.core_type = #tpu.core_type<sc_vector_subcore>, window_params = [{transform_indices = #map}, {transform_indices = #map}, {transform_indices = #map}, {transform_indices = #map1}, {transform_indices = #map}, {transform_indices = #map1}, {transform_indices = #map1}]} {
    %mul3A = arith.constant 16 : i32
    %mul3A_0 = arith.muli %arg0, %mul3A : i32
    %add3A = arith.addi %mul3A_0, %arg1 : i32
    %scan3A = arith.constant 0 : i32
    %scan3A_1 = arith.constant 0 : i32
    %scan3A_2 = arith.constant 512 : i32
    %scan3A_3 = arith.addi %scan3A_1, %scan3A_2 : i32
    %scan3A_4 = arith.constant 1 : i32
    scf.for %scan3A_143 = %scan3A_1 to %scan3A_3 step %scan3A_4  : i32 {
      %broadcast_in_dim3A = arith.constant 0.000000e+00 : f32
      %broadcast_in_dim3A_144 = vector.broadcast %broadcast_in_dim3A : f32 to vector<16xf32>
      %jit3A = arith.constant 8 : i32
      %div3A = arith.divsi %scan3A_143, %jit3A : i32
      %sign3A = arith.constant 0 : i32
      %sign3A_145 = arith.cmpi sgt, %scan3A_143, %sign3A : i32
      %sign3A_146 = arith.extui %sign3A_145 : i1 to i32
      %sign3A_147 = arith.constant 0 : i32
      %sign3A_148 = arith.cmpi slt, %scan3A_143, %sign3A_147 : i32
      %sign3A_149 = arith.extui %sign3A_148 : i1 to i32
      %sign3A_150 = arith.subi %sign3A_146, %sign3A_149 : i32
      %sign3A_151 = arith.constant 0 : i32
      %sign3A_152 = arith.cmpi sgt, %jit3A, %sign3A_151 : i32
      %sign3A_153 = arith.extui %sign3A_152 : i1 to i32
      %sign3A_154 = arith.constant 0 : i32
      %sign3A_155 = arith.cmpi slt, %jit3A, %sign3A_154 : i32
      %sign3A_156 = arith.extui %sign3A_155 : i1 to i32
      %sign3A_157 = arith.subi %sign3A_153, %sign3A_156 : i32
      %ne3A = arith.cmpi ne, %sign3A_150, %sign3A_157 : i32
      %rem3A = arith.remsi %scan3A_143, %jit3A : i32
      %ne3A_158 = arith.constant 0 : i32
      %ne3A_159 = arith.cmpi ne, %rem3A, %ne3A_158 : i32
      %and3A = arith.andi %ne3A, %ne3A_159 : i1
      %sub3A = arith.constant 1 : i32
      %sub3A_160 = arith.subi %div3A, %sub3A : i32
      %select_n3A = arith.select %and3A, %sub3A_160, %div3A : i32
      %jit3A_161 = arith.constant 8 : i32
      %eq3A = arith.constant 0 : i32
      %eq3A_162 = arith.cmpi eq, %jit3A_161, %eq3A : i32
      %jit3A_163 = arith.constant 1 : i32
      %select_n3A_164 = arith.select %eq3A_162, %jit3A_163, %jit3A_161 : i32
      %rem3A_165 = arith.remsi %scan3A_143, %select_n3A_164 : i32
      %ne3A_166 = arith.constant 0 : i32
      %ne3A_167 = arith.cmpi ne, %rem3A_165, %ne3A_166 : i32
      %lt3A_168 = arith.constant 0 : i32
      %lt3A_169 = arith.cmpi slt, %rem3A_165, %lt3A_168 : i32
      %lt3A_170 = arith.constant 0 : i32
      %lt3A_171 = arith.cmpi slt, %select_n3A_164, %lt3A_170 : i32
      %ne3A_172 = arith.xori %lt3A_169, %lt3A_171 : i1
      %and3A_173 = arith.andi %ne3A_172, %ne3A_167 : i1
      %add3A_174 = arith.addi %rem3A_165, %select_n3A_164 : i32
      %select_n3A_175 = arith.select %and3A_173, %add3A_174, %rem3A_165 : i32
      %mul3A_176 = arith.constant 16 : i32
      %mul3A_177 = arith.muli %select_n3A_175, %mul3A_176 : i32
      %swap3A = arith.index_cast %select_n3A : i32 to index
      %swap3A_178 = arith.index_cast %mul3A_177 : i32 to index
      %swap3A_179 = tpu.vector_load %arg12[%swap3A, %swap3A_178] {strides = array<i32>} : memref<64x128xf32, #tpu.memory_space<vmem>>, vector<1x16xf32>,
      %swap3A_180 = vector.shape_cast %swap3A_179 : vector<1x16xf32> to vector<16xf32>
      %swap3A_181 = vector.shape_cast %broadcast_in_dim3A_144 : vector<16xf32> to vector<1x16xf32>
      tpu.vector_store %arg12[%swap3A, %swap3A_178], %swap3A_181 {strides = array<i32>} : memref<64x128xf32, #tpu.memory_space<vmem>>, vector<1x16xf32>,
    }
    %scan3A_5 = arith.constant 512 : i32
    %scan3A_6 = arith.constant 0 : i32
    %scan3A_7 = arith.constant 0 : i32
    %scan3A_8 = arith.constant 9 : i32
    %scan3A_9 = arith.addi %scan3A_7, %scan3A_8 : i32
    %scan3A_10 = arith.constant 1 : i32
    scf.for %scan3A_143 = %scan3A_7 to %scan3A_9 step %scan3A_10  : i32 {
      %mul3A_144 = arith.constant 625 : i32
      %mul3A_145 = arith.muli %arg1, %mul3A_144 : i32
      %mul3A_146 = arith.constant 64 : i32
      %mul3A_147 = arith.muli %scan3A_143, %mul3A_146 : i32
      %add3A_148 = arith.addi %mul3A_145, %mul3A_147 : i32
      "tpu.region"() ({
        %run_scoped3A_149 = tpu.sem_alloc : memref<!tpu.dma_semaphore, #tpu.memory_space<semaphore_mem>>
        %dma_start3A_150 = arith.constant 0 : i32
        %dma_start3A_151 = tpu.memref_slice %arg17[%add3A_148, %dma_start3A_150] : memref<10000x128xf32, #tpu.memory_space<vmem_shared>> -> memref<64x128xf32, #tpu.memory_space<vmem_shared>>
        %dma_start3A_152 = arith.constant 0 : i32
        %dma_start3A_153 = tpu.memref_slice %arg17[%add3A_148, %dma_start3A_152] : memref<10000x128xf32, #tpu.memory_space<vmem_shared>> -> memref<64x128xf32, #tpu.memory_space<vmem_shared>>
        tpu.enqueue_dma source(%arg12 : memref<64x128xf32, #tpu.memory_space<vmem>>) target(%dma_start3A_153 : memref<64x128xf32, #tpu.memory_space<vmem_shared>>) target_semaphore(%run_scoped3A_149 : memref<!tpu.dma_semaphore, #tpu.memory_space<semaphore_mem>>)
        %dma_wait3A_154 = arith.constant 0 : i32
        %dma_wait3A_155 = tpu.memref_slice %arg17[%add3A_148, %dma_wait3A_154] : memref<10000x128xf32, #tpu.memory_space<vmem_shared>> -> memref<64x128xf32, #tpu.memory_space<vmem_shared>>
        %dma_wait3A_156 = arith.constant 0 : i32
        %dma_wait3A_157 = tpu.memref_slice %arg17[%add3A_148, %dma_wait3A_156] : memref<10000x128xf32, #tpu.memory_space<vmem_shared>> -> memref<64x128xf32, #tpu.memory_space<vmem_shared>>
        tpu.wait_dma2 semaphore(%run_scoped3A_149 : memref<!tpu.dma_semaphore, #tpu.memory_space<semaphore_mem>>) src(%arg12 : memref<64x128xf32, #tpu.memory_space<vmem>>) dst(%dma_wait3A_157 : memref<64x128xf32, #tpu.memory_space<vmem_shared>>)
        tpu.yield
      }) : () -> ()
    }
    %scan3A_11 = arith.constant 9 : i32
    %mul3A_12 = arith.constant 625 : i32
    %mul3A_13 = arith.muli %arg1, %mul3A_12 : i32
    %add3A_14 = arith.constant 576 : i32
    %add3A_15 = arith.addi %mul3A_13, %add3A_14 : i32
    "tpu.region"() ({
      %run_scoped3A_143 = tpu.sem_alloc : memref<!tpu.dma_semaphore, #tpu.memory_space<semaphore_mem>>
      %dma_start3A_144 = arith.constant 0 : i32
      %dma_start3A_145 = arith.constant 0 : i32
      %dma_start3A_146 = tpu.memref_slice %arg12[%dma_start3A_144, %dma_start3A_145] : memref<64x128xf32, #tpu.memory_space<vmem>> -> memref<49x128xf32, #tpu.memory_space<vmem>>
      %dma_start3A_147 = arith.constant 0 : i32
      %dma_start3A_148 = tpu.memref_slice %arg17[%add3A_15, %dma_start3A_147] : memref<10000x128xf32, #tpu.memory_space<vmem_shared>> -> memref<49x128xf32, #tpu.memory_space<vmem_shared>>
      %dma_start3A_149 = arith.constant 0 : i32
      %dma_start3A_150 = tpu.memref_slice %arg17[%add3A_15, %dma_start3A_149] : memref<10000x128xf32, #tpu.memory_space<vmem_shared>> -> memref<49x128xf32, #tpu.memory_space<vmem_shared>>
      %dma_start3A_151 = arith.constant 0 : i32
      %dma_start3A_152 = arith.constant 0 : i32
      %dma_start3A_153 = tpu.memref_slice %arg12[%dma_start3A_151, %dma_start3A_152] : memref<64x128xf32, #tpu.memory_space<vmem>> -> memref<49x128xf32, #tpu.memory_space<vmem>>
      tpu.enqueue_dma source(%dma_start3A_153 : memref<49x128xf32, #tpu.memory_space<vmem>>) target(%dma_start3A_150 : memref<49x128xf32, #tpu.memory_space<vmem_shared>>) target_semaphore(%run_scoped3A_143 : memref<!tpu.dma_semaphore, #tpu.memory_space<semaphore_mem>>)
      %dma_wait3A_154 = arith.constant 0 : i32
      %dma_wait3A_155 = arith.constant 0 : i32
      %dma_wait3A_156 = tpu.memref_slice %arg12[%dma_wait3A_154, %dma_wait3A_155] : memref<64x128xf32, #tpu.memory_space<vmem>> -> memref<49x128xf32, #tpu.memory_space<vmem>>
      %dma_wait3A_157 = arith.constant 0 : i32
      %dma_wait3A_158 = tpu.memref_slice %arg17[%add3A_15, %dma_wait3A_157] : memref<10000x128xf32, #tpu.memory_space<vmem_shared>> -> memref<49x128xf32, #tpu.memory_space<vmem_shared>>
      %dma_wait3A_159 = arith.constant 0 : i32
      %dma_wait3A_160 = tpu.memref_slice %arg17[%add3A_15, %dma_wait3A_159] : memref<10000x128xf32, #tpu.memory_space<vmem_shared>> -> memref<49x128xf32, #tpu.memory_space<vmem_shared>>
      %dma_wait3A_161 = arith.constant 0 : i32
      %dma_wait3A_162 = arith.constant 0 : i32
      %dma_wait3A_163 = tpu.memref_slice %arg12[%dma_wait3A_161, %dma_wait3A_162] : memref<64x128xf32, #tpu.memory_space<vmem>> -> memref<49x128xf32, #tpu.memory_space<vmem>>
      tpu.wait_dma2 semaphore(%run_scoped3A_143 : memref<!tpu.dma_semaphore, #tpu.memory_space<semaphore_mem>>) src(%dma_wait3A_163 : memref<49x128xf32, #tpu.memory_space<vmem>>) dst(%dma_wait3A_160 : memref<49x128xf32, #tpu.memory_space<vmem_shared>>)
      tpu.yield
    }) : () -> ()
    "tpu.region"() ({
      %run_scoped3A_143 = tpu.sem_alloc : memref<!tpu.dma_semaphore, #tpu.memory_space<semaphore_mem>>
      %dma_start3A_144 = arith.constant 0 : i32
      %dma_start3A_145 = arith.constant 0 : i32
      %dma_start3A_146 = tpu.memref_slice %arg6[%dma_start3A_144, %dma_start3A_145] : memref<2064x8xf32, #tpu.memory_space<hbm>> -> memref<64x8xf32, #tpu.memory_space<hbm>>
      %dma_start3A_147 = arith.constant 0 : i32
      %dma_start3A_148 = arith.constant 0 : i32
      %dma_start3A_149 = tpu.memref_slice %arg6[%dma_start3A_147, %dma_start3A_148] : memref<2064x8xf32, #tpu.memory_space<hbm>> -> memref<64x8xf32, #tpu.memory_space<hbm>>
      tpu.enqueue_dma source(%dma_start3A_149 : memref<64x8xf32, #tpu.memory_space<hbm>>) target(%arg14 : memref<64x8xf32, #tpu.memory_space<vmem>>) target_semaphore(%run_scoped3A_143 : memref<!tpu.dma_semaphore, #tpu.memory_space<semaphore_mem>>)
      %dma_wait3A_150 = arith.constant 0 : i32
      %dma_wait3A_151 = arith.constant 0 : i32
      %dma_wait3A_152 = tpu.memref_slice %arg6[%dma_wait3A_150, %dma_wait3A_151] : memref<2064x8xf32, #tpu.memory_space<hbm>> -> memref<64x8xf32, #tpu.memory_space<hbm>>
      %dma_wait3A_153 = arith.constant 0 : i32
      %dma_wait3A_154 = arith.constant 0 : i32
      %dma_wait3A_155 = tpu.memref_slice %arg6[%dma_wait3A_153, %dma_wait3A_154] : memref<2064x8xf32, #tpu.memory_space<hbm>> -> memref<64x8xf32, #tpu.memory_space<hbm>>
      tpu.wait_dma2 semaphore(%run_scoped3A_143 : memref<!tpu.dma_semaphore, #tpu.memory_space<semaphore_mem>>) src(%dma_wait3A_155 : memref<64x8xf32, #tpu.memory_space<hbm>>) dst(%arg14 : memref<64x8xf32, #tpu.memory_space<vmem>>)
      tpu.yield
    }) : () -> ()
    %lt3A = arith.constant 5 : i32
    %lt3A_16 = arith.cmpi slt, %arg1, %lt3A : i32
    %convert_element_type3A = arith.extui %lt3A_16 : i1 to i32
    %cond3A = arith.constant 0 : i32
    %cond3A_17 = arith.cmpi ne, %convert_element_type3A, %cond3A : i32
    scf.if %cond3A_17 {
      %mul3A_143 = arith.constant 2000 : i32
      %mul3A_144 = arith.muli %arg1, %mul3A_143 : i32
      "tpu.region"() ({
        %run_scoped3A_145 = tpu.sem_alloc : memref<!tpu.dma_semaphore, #tpu.memory_space<semaphore_mem>>
        %dma_start3A_146 = arith.constant 0 : i32
        %dma_start3A_147 = tpu.memref_slice %arg18[%mul3A_144, %dma_start3A_146] : memref<10000x8xf32, #tpu.memory_space<vmem_shared>> -> memref<2000x8xf32, #tpu.memory_space<vmem_shared>>
        %dma_start3A_148 = arith.constant 64 : i32
        %dma_start3A_149 = arith.constant 0 : i32
        %dma_start3A_150 = tpu.memref_slice %arg6[%dma_start3A_148, %dma_start3A_149] : memref<2064x8xf32, #tpu.memory_space<hbm>> -> memref<2000x8xf32, #tpu.memory_space<hbm>>
        tpu.enqueue_dma source(%dma_start3A_150 : memref<2000x8xf32, #tpu.memory_space<hbm>>) target(%dma_start3A_147 : memref<2000x8xf32, #tpu.memory_space<vmem_shared>>) target_semaphore(%run_scoped3A_145 : memref<!tpu.dma_semaphore, #tpu.memory_space<semaphore_mem>>)
        %dma_wait3A_151 = arith.constant 0 : i32
        %dma_wait3A_152 = tpu.memref_slice %arg18[%mul3A_144, %dma_wait3A_151] : memref<10000x8xf32, #tpu.memory_space<vmem_shared>> -> memref<2000x8xf32, #tpu.memory_space<vmem_shared>>
        %dma_wait3A_153 = arith.constant 64 : i32
        %dma_wait3A_154 = arith.constant 0 : i32
        %dma_wait3A_155 = tpu.memref_slice %arg6[%dma_wait3A_153, %dma_wait3A_154] : memref<2064x8xf32, #tpu.memory_space<hbm>> -> memref<2000x8xf32, #tpu.memory_space<hbm>>
        tpu.wait_dma2 semaphore(%run_scoped3A_145 : memref<!tpu.dma_semaphore, #tpu.memory_space<semaphore_mem>>) src(%dma_wait3A_155 : memref<2000x8xf32, #tpu.memory_space<hbm>>) dst(%dma_wait3A_152 : memref<2000x8xf32, #tpu.memory_space<vmem_shared>>)
        tpu.yield
      }) : () -> ()
    } else {
    }
    "tpu.region"() ({
      %run_scoped3A_143 = tpu.sem_alloc : memref<!tpu.dma_semaphore, #tpu.memory_space<semaphore_mem>>
      %dma_start3A_144 = arith.constant 0 : i32
      %dma_start3A_145 = arith.constant 0 : i32
      %dma_start3A_146 = tpu.memref_slice %arg5[%add3A, %dma_start3A_144, %dma_start3A_145] : memref<32x2x80xi32, #tpu.memory_space<hbm>> -> memref<1x2x80xi32, #tpu.memory_space<hbm>>
      %dma_start3A_147 = tpu.memref_squeeze %dma_start3A_146 : memref<1x2x80xi32, #tpu.memory_space<hbm>> -> memref<2x80xi32, #tpu.memory_space<hbm>>
      %dma_start3A_148 = arith.constant 0 : i32
      %dma_start3A_149 = arith.constant 0 : i32
      %dma_start3A_150 = tpu.memref_slice %arg5[%add3A, %dma_start3A_148, %dma_start3A_149] : memref<32x2x80xi32, #tpu.memory_space<hbm>> -> memref<1x2x80xi32, #tpu.memory_space<hbm>>
      %dma_start3A_151 = tpu.memref_squeeze %dma_start3A_150 : memref<1x2x80xi32, #tpu.memory_space<hbm>> -> memref<2x80xi32, #tpu.memory_space<hbm>>
      tpu.enqueue_dma source(%dma_start3A_151 : memref<2x80xi32, #tpu.memory_space<hbm>>) target(%arg9 : memref<2x80xi32, #tpu.memory_space<vmem>>) target_semaphore(%run_scoped3A_143 : memref<!tpu.dma_semaphore, #tpu.memory_space<semaphore_mem>>)
      %dma_wait3A_152 = arith.constant 0 : i32
      %dma_wait3A_153 = arith.constant 0 : i32
      %dma_wait3A_154 = tpu.memref_slice %arg5[%add3A, %dma_wait3A_152, %dma_wait3A_153] : memref<32x2x80xi32, #tpu.memory_space<hbm>> -> memref<1x2x80xi32, #tpu.memory_space<hbm>>
      %dma_wait3A_155 = tpu.memref_squeeze %dma_wait3A_154 : memref<1x2x80xi32, #tpu.memory_space<hbm>> -> memref<2x80xi32, #tpu.memory_space<hbm>>
      %dma_wait3A_156 = arith.constant 0 : i32
      %dma_wait3A_157 = arith.constant 0 : i32
      %dma_wait3A_158 = tpu.memref_slice %arg5[%add3A, %dma_wait3A_156, %dma_wait3A_157] : memref<32x2x80xi32, #tpu.memory_space<hbm>> -> memref<1x2x80xi32, #tpu.memory_space<hbm>>
      %dma_wait3A_159 = tpu.memref_squeeze %dma_wait3A_158 : memref<1x2x80xi32, #tpu.memory_space<hbm>> -> memref<2x80xi32, #tpu.memory_space<hbm>>
      tpu.wait_dma2 semaphore(%run_scoped3A_143 : memref<!tpu.dma_semaphore, #tpu.memory_space<semaphore_mem>>) src(%dma_wait3A_159 : memref<2x80xi32, #tpu.memory_space<hbm>>) dst(%arg9 : memref<2x80xi32, #tpu.memory_space<vmem>>)
      tpu.yield
    }) : () -> ()
    %dma_start3A = arith.constant 0 : i32
    %dma_start3A_18 = arith.constant 0 : i32
    %dma_start3A_19 = arith.constant 0 : i32
    %dma_start3A_20 = tpu.memref_slice %arg10[%dma_start3A_18, %dma_start3A_19] : memref<160x64xi32, #tpu.memory_space<vmem>> -> memref<80x64xi32, #tpu.memory_space<vmem>>
    %dma_start3A_21 = arith.constant 0 : i32
    %dma_start3A_22 = tpu.memref_slice %arg9[%dma_start3A, %dma_start3A_21] : memref<2x80xi32, #tpu.memory_space<vmem>> -> memref<1x80xi32, #tpu.memory_space<vmem>>
    %dma_start3A_23 = tpu.memref_squeeze %dma_start3A_22 : memref<1x80xi32, #tpu.memory_space<vmem>> -> memref<80xi32, #tpu.memory_space<vmem>>
    %dma_start3A_24 = arith.constant 0 : i32
    %dma_start3A_25 = arith.constant 0 : i32
    %dma_start3A_26 = tpu.memref_slice %arg3[%dma_start3A_24, %dma_start3A_25] : memref<5120x64xi32, #tpu.memory_space<hbm>> -> memref<5120x64xi32, #tpu.memory_space<hbm>>
    tpu.enqueue_indirect_dma source(%dma_start3A_26 : memref<5120x64xi32, #tpu.memory_space<hbm>>) target(%dma_start3A_20 : memref<80x64xi32, #tpu.memory_space<vmem>>) offsets(%dma_start3A_23 : memref<80xi32, #tpu.memory_space<vmem>>) semaphore(%arg15 : memref<!tpu.dma_semaphore, #tpu.memory_space<semaphore_mem>>)
    %dma_wait3A = arith.constant 0 : i32
    %dma_wait3A_27 = arith.constant 0 : i32
    %dma_wait3A_28 = arith.constant 0 : i32
    %dma_wait3A_29 = tpu.memref_slice %arg10[%dma_wait3A_27, %dma_wait3A_28] : memref<160x64xi32, #tpu.memory_space<vmem>> -> memref<80x64xi32, #tpu.memory_space<vmem>>
    %dma_wait3A_30 = arith.constant 0 : i32
    %dma_wait3A_31 = tpu.memref_slice %arg9[%dma_wait3A, %dma_wait3A_30] : memref<2x80xi32, #tpu.memory_space<vmem>> -> memref<1x80xi32, #tpu.memory_space<vmem>>
    %dma_wait3A_32 = tpu.memref_squeeze %dma_wait3A_31 : memref<1x80xi32, #tpu.memory_space<vmem>> -> memref<80xi32, #tpu.memory_space<vmem>>
    %dma_wait3A_33 = arith.constant 0 : i32
    %dma_wait3A_34 = arith.constant 0 : i32
    %dma_wait3A_35 = tpu.memref_slice %arg3[%dma_wait3A_33, %dma_wait3A_34] : memref<5120x64xi32, #tpu.memory_space<hbm>> -> memref<5120x64xi32, #tpu.memory_space<hbm>>
    tpu.wait_indirect_dma semaphore(%arg15 : memref<!tpu.dma_semaphore, #tpu.memory_space<semaphore_mem>>) src(%dma_wait3A_35 : memref<5120x64xi32, #tpu.memory_space<hbm>>) dst(%dma_wait3A_29 : memref<80x64xi32, #tpu.memory_space<vmem>>)
    %dma_start3A_36 = arith.constant 1 : i32
    %dma_start3A_37 = arith.constant 80 : i32
    %dma_start3A_38 = arith.constant 0 : i32
    %dma_start3A_39 = tpu.memref_slice %arg10[%dma_start3A_37, %dma_start3A_38] : memref<160x64xi32, #tpu.memory_space<vmem>> -> memref<80x64xi32, #tpu.memory_space<vmem>>
    %dma_start3A_40 = arith.constant 0 : i32
    %dma_start3A_41 = tpu.memref_slice %arg9[%dma_start3A_36, %dma_start3A_40] : memref<2x80xi32, #tpu.memory_space<vmem>> -> memref<1x80xi32, #tpu.memory_space<vmem>>
    %dma_start3A_42 = tpu.memref_squeeze %dma_start3A_41 : memref<1x80xi32, #tpu.memory_space<vmem>> -> memref<80xi32, #tpu.memory_space<vmem>>
    %dma_start3A_43 = arith.constant 0 : i32
    %dma_start3A_44 = arith.constant 0 : i32
    %dma_start3A_45 = tpu.memref_slice %arg3[%dma_start3A_43, %dma_start3A_44] : memref<5120x64xi32, #tpu.memory_space<hbm>> -> memref<5120x64xi32, #tpu.memory_space<hbm>>
    tpu.enqueue_indirect_dma source(%dma_start3A_45 : memref<5120x64xi32, #tpu.memory_space<hbm>>) target(%dma_start3A_39 : memref<80x64xi32, #tpu.memory_space<vmem>>) offsets(%dma_start3A_42 : memref<80xi32, #tpu.memory_space<vmem>>) semaphore(%arg15 : memref<!tpu.dma_semaphore, #tpu.memory_space<semaphore_mem>>)
    %dma_wait3A_46 = arith.constant 1 : i32
    %dma_wait3A_47 = arith.constant 80 : i32
    %dma_wait3A_48 = arith.constant 0 : i32
    %dma_wait3A_49 = tpu.memref_slice %arg10[%dma_wait3A_47, %dma_wait3A_48] : memref<160x64xi32, #tpu.memory_space<vmem>> -> memref<80x64xi32, #tpu.memory_space<vmem>>
    %dma_wait3A_50 = arith.constant 0 : i32
    %dma_wait3A_51 = tpu.memref_slice %arg9[%dma_wait3A_46, %dma_wait3A_50] : memref<2x80xi32, #tpu.memory_space<vmem>> -> memref<1x80xi32, #tpu.memory_space<vmem>>
    %dma_wait3A_52 = tpu.memref_squeeze %dma_wait3A_51 : memref<1x80xi32, #tpu.memory_space<vmem>> -> memref<80xi32, #tpu.memory_space<vmem>>
    %dma_wait3A_53 = arith.constant 0 : i32
    %dma_wait3A_54 = arith.constant 0 : i32
    %dma_wait3A_55 = tpu.memref_slice %arg3[%dma_wait3A_53, %dma_wait3A_54] : memref<5120x64xi32, #tpu.memory_space<hbm>> -> memref<5120x64xi32, #tpu.memory_space<hbm>>
    tpu.wait_indirect_dma semaphore(%arg15 : memref<!tpu.dma_semaphore, #tpu.memory_space<semaphore_mem>>) src(%dma_wait3A_55 : memref<5120x64xi32, #tpu.memory_space<hbm>>) dst(%dma_wait3A_49 : memref<80x64xi32, #tpu.memory_space<vmem>>)
    %dma_start3A_56 = arith.constant 0 : i32
    %dma_start3A_57 = arith.constant 0 : i32
    %dma_start3A_58 = arith.constant 0 : i32
    %dma_start3A_59 = tpu.memref_slice %arg11[%dma_start3A_57, %dma_start3A_58] : memref<160x64xi32, #tpu.memory_space<vmem>> -> memref<80x64xi32, #tpu.memory_space<vmem>>
    %dma_start3A_60 = arith.constant 0 : i32
    %dma_start3A_61 = tpu.memref_slice %arg9[%dma_start3A_56, %dma_start3A_60] : memref<2x80xi32, #tpu.memory_space<vmem>> -> memref<1x80xi32, #tpu.memory_space<vmem>>
    %dma_start3A_62 = tpu.memref_squeeze %dma_start3A_61 : memref<1x80xi32, #tpu.memory_space<vmem>> -> memref<80xi32, #tpu.memory_space<vmem>>
    %dma_start3A_63 = arith.constant 0 : i32
    %dma_start3A_64 = arith.constant 0 : i32
    %dma_start3A_65 = tpu.memref_slice %arg4[%dma_start3A_63, %dma_start3A_64] : memref<5120x64xi32, #tpu.memory_space<hbm>> -> memref<5120x64xi32, #tpu.memory_space<hbm>>
    tpu.enqueue_indirect_dma source(%dma_start3A_65 : memref<5120x64xi32, #tpu.memory_space<hbm>>) target(%dma_start3A_59 : memref<80x64xi32, #tpu.memory_space<vmem>>) offsets(%dma_start3A_62 : memref<80xi32, #tpu.memory_space<vmem>>) semaphore(%arg15 : memref<!tpu.dma_semaphore, #tpu.memory_space<semaphore_mem>>)
    %dma_wait3A_66 = arith.constant 0 : i32
    %dma_wait3A_67 = arith.constant 0 : i32
    %dma_wait3A_68 = arith.constant 0 : i32
    %dma_wait3A_69 = tpu.memref_slice %arg11[%dma_wait3A_67, %dma_wait3A_68] : memref<160x64xi32, #tpu.memory_space<vmem>> -> memref<80x64xi32, #tpu.memory_space<vmem>>
    %dma_wait3A_70 = arith.constant 0 : i32
    %dma_wait3A_71 = tpu.memref_slice %arg9[%dma_wait3A_66, %dma_wait3A_70] : memref<2x80xi32, #tpu.memory_space<vmem>> -> memref<1x80xi32, #tpu.memory_space<vmem>>
    %dma_wait3A_72 = tpu.memref_squeeze %dma_wait3A_71 : memref<1x80xi32, #tpu.memory_space<vmem>> -> memref<80xi32, #tpu.memory_space<vmem>>
    %dma_wait3A_73 = arith.constant 0 : i32
    %dma_wait3A_74 = arith.constant 0 : i32
    %dma_wait3A_75 = tpu.memref_slice %arg4[%dma_wait3A_73, %dma_wait3A_74] : memref<5120x64xi32, #tpu.memory_space<hbm>> -> memref<5120x64xi32, #tpu.memory_space<hbm>>
    tpu.wait_indirect_dma semaphore(%arg15 : memref<!tpu.dma_semaphore, #tpu.memory_space<semaphore_mem>>) src(%dma_wait3A_75 : memref<5120x64xi32, #tpu.memory_space<hbm>>) dst(%dma_wait3A_69 : memref<80x64xi32, #tpu.memory_space<vmem>>)
    %dma_start3A_76 = arith.constant 1 : i32
    %dma_start3A_77 = arith.constant 80 : i32
    %dma_start3A_78 = arith.constant 0 : i32
    %dma_start3A_79 = tpu.memref_slice %arg11[%dma_start3A_77, %dma_start3A_78] : memref<160x64xi32, #tpu.memory_space<vmem>> -> memref<80x64xi32, #tpu.memory_space<vmem>>
    %dma_start3A_80 = arith.constant 0 : i32
    %dma_start3A_81 = tpu.memref_slice %arg9[%dma_start3A_76, %dma_start3A_80] : memref<2x80xi32, #tpu.memory_space<vmem>> -> memref<1x80xi32, #tpu.memory_space<vmem>>
    %dma_start3A_82 = tpu.memref_squeeze %dma_start3A_81 : memref<1x80xi32, #tpu.memory_space<vmem>> -> memref<80xi32, #tpu.memory_space<vmem>>
    %dma_start3A_83 = arith.constant 0 : i32
    %dma_start3A_84 = arith.constant 0 : i32
    %dma_start3A_85 = tpu.memref_slice %arg4[%dma_start3A_83, %dma_start3A_84] : memref<5120x64xi32, #tpu.memory_space<hbm>> -> memref<5120x64xi32, #tpu.memory_space<hbm>>
    tpu.enqueue_indirect_dma source(%dma_start3A_85 : memref<5120x64xi32, #tpu.memory_space<hbm>>) target(%dma_start3A_79 : memref<80x64xi32, #tpu.memory_space<vmem>>) offsets(%dma_start3A_82 : memref<80xi32, #tpu.memory_space<vmem>>) semaphore(%arg15 : memref<!tpu.dma_semaphore, #tpu.memory_space<semaphore_mem>>)
    %dma_wait3A_86 = arith.constant 1 : i32
    %dma_wait3A_87 = arith.constant 80 : i32
    %dma_wait3A_88 = arith.constant 0 : i32
    %dma_wait3A_89 = tpu.memref_slice %arg11[%dma_wait3A_87, %dma_wait3A_88] : memref<160x64xi32, #tpu.memory_space<vmem>> -> memref<80x64xi32, #tpu.memory_space<vmem>>
    %dma_wait3A_90 = arith.constant 0 : i32
    %dma_wait3A_91 = tpu.memref_slice %arg9[%dma_wait3A_86, %dma_wait3A_90] : memref<2x80xi32, #tpu.memory_space<vmem>> -> memref<1x80xi32, #tpu.memory_space<vmem>>
    %dma_wait3A_92 = tpu.memref_squeeze %dma_wait3A_91 : memref<1x80xi32, #tpu.memory_space<vmem>> -> memref<80xi32, #tpu.memory_space<vmem>>
    %dma_wait3A_93 = arith.constant 0 : i32
    %dma_wait3A_94 = arith.constant 0 : i32
    %dma_wait3A_95 = tpu.memref_slice %arg4[%dma_wait3A_93, %dma_wait3A_94] : memref<5120x64xi32, #tpu.memory_space<hbm>> -> memref<5120x64xi32, #tpu.memory_space<hbm>>
    tpu.wait_indirect_dma semaphore(%arg15 : memref<!tpu.dma_semaphore, #tpu.memory_space<semaphore_mem>>) src(%dma_wait3A_95 : memref<5120x64xi32, #tpu.memory_space<hbm>>) dst(%dma_wait3A_89 : memref<80x64xi32, #tpu.memory_space<vmem>>)
    %barrier3A = arith.constant 0 : index
    tpu.barrier barrier_id(%barrier3A)
    %dma_start3A_96 = arith.constant 0 : i32
    %dma_start3A_97 = arith.constant 0 : i32
    %dma_start3A_98 = tpu.memref_slice %arg10[%dma_start3A_96, %dma_start3A_97] : memref<160x64xi32, #tpu.memory_space<vmem>> -> memref<1x64xi32, #tpu.memory_space<vmem>>
    %dma_start3A_99 = tpu.memref_squeeze %dma_start3A_98 : memref<1x64xi32, #tpu.memory_space<vmem>> -> memref<64xi32, #tpu.memory_space<vmem>>
    %dma_start3A_100 = arith.constant 0 : i32
    %dma_start3A_101 = arith.constant 0 : i32
    %dma_start3A_102 = tpu.memref_slice %arg2[%dma_start3A_100, %dma_start3A_101] : memref<10000x128xf32, #tpu.memory_space<hbm>> -> memref<10000x128xf32, #tpu.memory_space<hbm>>
    tpu.enqueue_indirect_dma source(%dma_start3A_102 : memref<10000x128xf32, #tpu.memory_space<hbm>>) target(%arg12 : memref<64x128xf32, #tpu.memory_space<vmem>>) offsets(%dma_start3A_99 : memref<64xi32, #tpu.memory_space<vmem>>) semaphore(%arg15 : memref<!tpu.dma_semaphore, #tpu.memory_space<semaphore_mem>>)
    %scan3A_103 = arith.constant 0 : i32
    %scan3A_104 = arith.constant 0 : i32
    %scan3A_105 = arith.constant 79 : i32
    %scan3A_106 = arith.addi %scan3A_104, %scan3A_105 : i32
    %scan3A_107 = arith.constant 1 : i32
    scf.for %scan3A_143 = %scan3A_104 to %scan3A_106 step %scan3A_107  : i32 {
      %mul3A_144 = arith.constant 2 : i32
      %mul3A_145 = arith.muli %mul3A_144, %scan3A_143 : i32
      %add3A_146 = arith.constant 1 : i32
      %add3A_147 = arith.addi %mul3A_145, %add3A_146 : i32
      %dma_start3A_148 = arith.constant 0 : i32
      %dma_start3A_149 = tpu.memref_slice %arg10[%add3A_147, %dma_start3A_148] : memref<160x64xi32, #tpu.memory_space<vmem>> -> memref<1x64xi32, #tpu.memory_space<vmem>>
      %dma_start3A_150 = tpu.memref_squeeze %dma_start3A_149 : memref<1x64xi32, #tpu.memory_space<vmem>> -> memref<64xi32, #tpu.memory_space<vmem>>
      %dma_start3A_151 = arith.constant 0 : i32
      %dma_start3A_152 = arith.constant 0 : i32
      %dma_start3A_153 = tpu.memref_slice %arg2[%dma_start3A_151, %dma_start3A_152] : memref<10000x128xf32, #tpu.memory_space<hbm>> -> memref<10000x128xf32, #tpu.memory_space<hbm>>
      tpu.enqueue_indirect_dma source(%dma_start3A_153 : memref<10000x128xf32, #tpu.memory_space<hbm>>) target(%arg13 : memref<64x128xf32, #tpu.memory_space<vmem>>) offsets(%dma_start3A_150 : memref<64xi32, #tpu.memory_space<vmem>>) semaphore(%arg16 : memref<!tpu.dma_semaphore, #tpu.memory_space<semaphore_mem>>)
      %dma_wait3A_154 = arith.constant 0 : i32
      %dma_wait3A_155 = tpu.memref_slice %arg10[%mul3A_145, %dma_wait3A_154] : memref<160x64xi32, #tpu.memory_space<vmem>> -> memref<1x64xi32, #tpu.memory_space<vmem>>
      %dma_wait3A_156 = tpu.memref_squeeze %dma_wait3A_155 : memref<1x64xi32, #tpu.memory_space<vmem>> -> memref<64xi32, #tpu.memory_space<vmem>>
      %dma_wait3A_157 = arith.constant 0 : i32
      %dma_wait3A_158 = arith.constant 0 : i32
      %dma_wait3A_159 = tpu.memref_slice %arg2[%dma_wait3A_157, %dma_wait3A_158] : memref<10000x128xf32, #tpu.memory_space<hbm>> -> memref<10000x128xf32, #tpu.memory_space<hbm>>
      tpu.wait_indirect_dma semaphore(%arg15 : memref<!tpu.dma_semaphore, #tpu.memory_space<semaphore_mem>>) src(%dma_wait3A_159 : memref<10000x128xf32, #tpu.memory_space<hbm>>) dst(%arg12 : memref<64x128xf32, #tpu.memory_space<vmem>>)
      "tpu.region"() ({
        %run_scoped3A_180 = tpu.sem_alloc : memref<!tpu.dma_semaphore, #tpu.memory_space<semaphore_mem>>
        %dma_start3A_181 = arith.constant 0 : i32
        %dma_start3A_182 = tpu.memref_slice %arg11[%mul3A_145, %dma_start3A_181] : memref<160x64xi32, #tpu.memory_space<vmem>> -> memref<1x64xi32, #tpu.memory_space<vmem>>
        %dma_start3A_183 = tpu.memref_squeeze %dma_start3A_182 : memref<1x64xi32, #tpu.memory_space<vmem>> -> memref<64xi32, #tpu.memory_space<vmem>>
        %dma_start3A_184 = arith.constant 0 : i32
        %dma_start3A_185 = arith.constant 0 : i32
        %dma_start3A_186 = tpu.memref_slice %arg17[%dma_start3A_184, %dma_start3A_185] : memref<10000x128xf32, #tpu.memory_space<vmem_shared>> -> memref<10000x128xf32, #tpu.memory_space<vmem_shared>>
        tpu.enqueue_indirect_dma source(%arg12 : memref<64x128xf32, #tpu.memory_space<vmem>>) target(%dma_start3A_186 : memref<10000x128xf32, #tpu.memory_space<vmem_shared>>) offsets(%dma_start3A_183 : memref<64xi32, #tpu.memory_space<vmem>>) semaphore(%run_scoped3A_180 : memref<!tpu.dma_semaphore, #tpu.memory_space<semaphore_mem>>) {add = true}
        %dma_wait3A_187 = arith.constant 0 : i32
        %dma_wait3A_188 = tpu.memref_slice %arg11[%mul3A_145, %dma_wait3A_187] : memref<160x64xi32, #tpu.memory_space<vmem>> -> memref<1x64xi32, #tpu.memory_space<vmem>>
        %dma_wait3A_189 = tpu.memref_squeeze %dma_wait3A_188 : memref<1x64xi32, #tpu.memory_space<vmem>> -> memref<64xi32, #tpu.memory_space<vmem>>
        %dma_wait3A_190 = arith.constant 0 : i32
        %dma_wait3A_191 = arith.constant 0 : i32
        %dma_wait3A_192 = tpu.memref_slice %arg17[%dma_wait3A_190, %dma_wait3A_191] : memref<10000x128xf32, #tpu.memory_space<vmem_shared>> -> memref<10000x128xf32, #tpu.memory_space<vmem_shared>>
        tpu.wait_indirect_dma semaphore(%run_scoped3A_180 : memref<!tpu.dma_semaphore, #tpu.memory_space<semaphore_mem>>) src(%arg12 : memref<64x128xf32, #tpu.memory_space<vmem>>) dst(%dma_wait3A_192 : memref<10000x128xf32, #tpu.memory_space<vmem_shared>>)
        tpu.yield
      }) : () -> ()
      "tpu.region"() ({
        %run_scoped3A_180 = tpu.sem_alloc : memref<!tpu.dma_semaphore, #tpu.memory_space<semaphore_mem>>
        %dma_start3A_181 = arith.constant 0 : i32
        %dma_start3A_182 = tpu.memref_slice %arg11[%mul3A_145, %dma_start3A_181] : memref<160x64xi32, #tpu.memory_space<vmem>> -> memref<1x64xi32, #tpu.memory_space<vmem>>
        %dma_start3A_183 = tpu.memref_squeeze %dma_start3A_182 : memref<1x64xi32, #tpu.memory_space<vmem>> -> memref<64xi32, #tpu.memory_space<vmem>>
        %dma_start3A_184 = arith.constant 0 : i32
        %dma_start3A_185 = arith.constant 0 : i32
        %dma_start3A_186 = tpu.memref_slice %arg18[%dma_start3A_184, %dma_start3A_185] : memref<10000x8xf32, #tpu.memory_space<vmem_shared>> -> memref<10000x8xf32, #tpu.memory_space<vmem_shared>>
        tpu.enqueue_indirect_dma source(%arg14 : memref<64x8xf32, #tpu.memory_space<vmem>>) target(%dma_start3A_186 : memref<10000x8xf32, #tpu.memory_space<vmem_shared>>) offsets(%dma_start3A_183 : memref<64xi32, #tpu.memory_space<vmem>>) semaphore(%run_scoped3A_180 : memref<!tpu.dma_semaphore, #tpu.memory_space<semaphore_mem>>) {add = true}
        %dma_wait3A_187 = arith.constant 0 : i32
        %dma_wait3A_188 = tpu.memref_slice %arg11[%mul3A_145, %dma_wait3A_187] : memref<160x64xi32, #tpu.memory_space<vmem>> -> memref<1x64xi32, #tpu.memory_space<vmem>>
        %dma_wait3A_189 = tpu.memref_squeeze %dma_wait3A_188 : memref<1x64xi32, #tpu.memory_space<vmem>> -> memref<64xi32, #tpu.memory_space<vmem>>
        %dma_wait3A_190 = arith.constant 0 : i32
        %dma_wait3A_191 = arith.constant 0 : i32
        %dma_wait3A_192 = tpu.memref_slice %arg18[%dma_wait3A_190, %dma_wait3A_191] : memref<10000x8xf32, #tpu.memory_space<vmem_shared>> -> memref<10000x8xf32, #tpu.memory_space<vmem_shared>>
        tpu.wait_indirect_dma semaphore(%run_scoped3A_180 : memref<!tpu.dma_semaphore, #tpu.memory_space<semaphore_mem>>) src(%arg14 : memref<64x8xf32, #tpu.memory_space<vmem>>) dst(%dma_wait3A_192 : memref<10000x8xf32, #tpu.memory_space<vmem_shared>>)
        tpu.yield
      }) : () -> ()
      %add3A_160 = arith.constant 2 : i32
      %add3A_161 = arith.addi %mul3A_145, %add3A_160 : i32
      %dma_start3A_162 = arith.constant 0 : i32
      %dma_start3A_163 = tpu.memref_slice %arg10[%add3A_161, %dma_start3A_162] : memref<160x64xi32, #tpu.memory_space<vmem>> -> memref<1x64xi32, #tpu.memory_space<vmem>>
      %dma_start3A_164 = tpu.memref_squeeze %dma_start3A_163 : memref<1x64xi32, #tpu.memory_space<vmem>> -> memref<64xi32, #tpu.memory_space<vmem>>
      %dma_start3A_165 = arith.constant 0 : i32
      %dma_start3A_166 = arith.constant 0 : i32
      %dma_start3A_167 = tpu.memref_slice %arg2[%dma_start3A_165, %dma_start3A_166] : memref<10000x128xf32, #tpu.memory_space<hbm>> -> memref<10000x128xf32, #tpu.memory_space<hbm>>
      tpu.enqueue_indirect_dma source(%dma_start3A_167 : memref<10000x128xf32, #tpu.memory_space<hbm>>) target(%arg12 : memref<64x128xf32, #tpu.memory_space<vmem>>) offsets(%dma_start3A_164 : memref<64xi32, #tpu.memory_space<vmem>>) semaphore(%arg15 : memref<!tpu.dma_semaphore, #tpu.memory_space<semaphore_mem>>)
      %add3A_168 = arith.constant 1 : i32
      %add3A_169 = arith.addi %mul3A_145, %add3A_168 : i32
      %dma_wait3A_170 = arith.constant 0 : i32
      %dma_wait3A_171 = tpu.memref_slice %arg10[%add3A_169, %dma_wait3A_170] : memref<160x64xi32, #tpu.memory_space<vmem>> -> memref<1x64xi32, #tpu.memory_space<vmem>>
      %dma_wait3A_172 = tpu.memref_squeeze %dma_wait3A_171 : memref<1x64xi32, #tpu.memory_space<vmem>> -> memref<64xi32, #tpu.memory_space<vmem>>
      %dma_wait3A_173 = arith.constant 0 : i32
      %dma_wait3A_174 = arith.constant 0 : i32
      %dma_wait3A_175 = tpu.memref_slice %arg2[%dma_wait3A_173, %dma_wait3A_174] : memref<10000x128xf32, #tpu.memory_space<hbm>> -> memref<10000x128xf32, #tpu.memory_space<hbm>>
      tpu.wait_indirect_dma semaphore(%arg16 : memref<!tpu.dma_semaphore, #tpu.memory_space<semaphore_mem>>) src(%dma_wait3A_175 : memref<10000x128xf32, #tpu.memory_space<hbm>>) dst(%arg13 : memref<64x128xf32, #tpu.memory_space<vmem>>)
      %add3A_176 = arith.constant 1 : i32
      %add3A_177 = arith.addi %mul3A_145, %add3A_176 : i32
      "tpu.region"() ({
        %run_scoped3A_180 = tpu.sem_alloc : memref<!tpu.dma_semaphore, #tpu.memory_space<semaphore_mem>>
        %dma_start3A_181 = arith.constant 0 : i32
        %dma_start3A_182 = tpu.memref_slice %arg11[%add3A_177, %dma_start3A_181] : memref<160x64xi32, #tpu.memory_space<vmem>> -> memref<1x64xi32, #tpu.memory_space<vmem>>
        %dma_start3A_183 = tpu.memref_squeeze %dma_start3A_182 : memref<1x64xi32, #tpu.memory_space<vmem>> -> memref<64xi32, #tpu.memory_space<vmem>>
        %dma_start3A_184 = arith.constant 0 : i32
        %dma_start3A_185 = arith.constant 0 : i32
        %dma_start3A_186 = tpu.memref_slice %arg17[%dma_start3A_184, %dma_start3A_185] : memref<10000x128xf32, #tpu.memory_space<vmem_shared>> -> memref<10000x128xf32, #tpu.memory_space<vmem_shared>>
        tpu.enqueue_indirect_dma source(%arg13 : memref<64x128xf32, #tpu.memory_space<vmem>>) target(%dma_start3A_186 : memref<10000x128xf32, #tpu.memory_space<vmem_shared>>) offsets(%dma_start3A_183 : memref<64xi32, #tpu.memory_space<vmem>>) semaphore(%run_scoped3A_180 : memref<!tpu.dma_semaphore, #tpu.memory_space<semaphore_mem>>) {add = true}
        %dma_wait3A_187 = arith.constant 0 : i32
        %dma_wait3A_188 = tpu.memref_slice %arg11[%add3A_177, %dma_wait3A_187] : memref<160x64xi32, #tpu.memory_space<vmem>> -> memref<1x64xi32, #tpu.memory_space<vmem>>
        %dma_wait3A_189 = tpu.memref_squeeze %dma_wait3A_188 : memref<1x64xi32, #tpu.memory_space<vmem>> -> memref<64xi32, #tpu.memory_space<vmem>>
        %dma_wait3A_190 = arith.constant 0 : i32
        %dma_wait3A_191 = arith.constant 0 : i32
        %dma_wait3A_192 = tpu.memref_slice %arg17[%dma_wait3A_190, %dma_wait3A_191] : memref<10000x128xf32, #tpu.memory_space<vmem_shared>> -> memref<10000x128xf32, #tpu.memory_space<vmem_shared>>
        tpu.wait_indirect_dma semaphore(%run_scoped3A_180 : memref<!tpu.dma_semaphore, #tpu.memory_space<semaphore_mem>>) src(%arg13 : memref<64x128xf32, #tpu.memory_space<vmem>>) dst(%dma_wait3A_192 : memref<10000x128xf32, #tpu.memory_space<vmem_shared>>)
        tpu.yield
      }) : () -> ()
      %add3A_178 = arith.constant 1 : i32
      %add3A_179 = arith.addi %mul3A_145, %add3A_178 : i32
      "tpu.region"() ({
        %run_scoped3A_180 = tpu.sem_alloc : memref<!tpu.dma_semaphore, #tpu.memory_space<semaphore_mem>>
        %dma_start3A_181 = arith.constant 0 : i32
        %dma_start3A_182 = tpu.memref_slice %arg11[%add3A_179, %dma_start3A_181] : memref<160x64xi32, #tpu.memory_space<vmem>> -> memref<1x64xi32, #tpu.memory_space<vmem>>
        %dma_start3A_183 = tpu.memref_squeeze %dma_start3A_182 : memref<1x64xi32, #tpu.memory_space<vmem>> -> memref<64xi32, #tpu.memory_space<vmem>>
        %dma_start3A_184 = arith.constant 0 : i32
        %dma_start3A_185 = arith.constant 0 : i32
        %dma_start3A_186 = tpu.memref_slice %arg18[%dma_start3A_184, %dma_start3A_185] : memref<10000x8xf32, #tpu.memory_space<vmem_shared>> -> memref<10000x8xf32, #tpu.memory_space<vmem_shared>>
        tpu.enqueue_indirect_dma source(%arg14 : memref<64x8xf32, #tpu.memory_space<vmem>>) target(%dma_start3A_186 : memref<10000x8xf32, #tpu.memory_space<vmem_shared>>) offsets(%dma_start3A_183 : memref<64xi32, #tpu.memory_space<vmem>>) semaphore(%run_scoped3A_180 : memref<!tpu.dma_semaphore, #tpu.memory_space<semaphore_mem>>) {add = true}
        %dma_wait3A_187 = arith.constant 0 : i32
        %dma_wait3A_188 = tpu.memref_slice %arg11[%add3A_179, %dma_wait3A_187] : memref<160x64xi32, #tpu.memory_space<vmem>> -> memref<1x64xi32, #tpu.memory_space<vmem>>
        %dma_wait3A_189 = tpu.memref_squeeze %dma_wait3A_188 : memref<1x64xi32, #tpu.memory_space<vmem>> -> memref<64xi32, #tpu.memory_space<vmem>>
        %dma_wait3A_190 = arith.constant 0 : i32
        %dma_wait3A_191 = arith.constant 0 : i32
        %dma_wait3A_192 = tpu.memref_slice %arg18[%dma_wait3A_190, %dma_wait3A_191] : memref<10000x8xf32, #tpu.memory_space<vmem_shared>> -> memref<10000x8xf32, #tpu.memory_space<vmem_shared>>
        tpu.wait_indirect_dma semaphore(%run_scoped3A_180 : memref<!tpu.dma_semaphore, #tpu.memory_space<semaphore_mem>>) src(%arg14 : memref<64x8xf32, #tpu.memory_space<vmem>>) dst(%dma_wait3A_192 : memref<10000x8xf32, #tpu.memory_space<vmem_shared>>)
        tpu.yield
      }) : () -> ()
    }
    %scan3A_108 = arith.constant 79 : i32
    %dma_start3A_109 = arith.constant 159 : i32
    %dma_start3A_110 = arith.constant 0 : i32
    %dma_start3A_111 = tpu.memref_slice %arg10[%dma_start3A_109, %dma_start3A_110] : memref<160x64xi32, #tpu.memory_space<vmem>> -> memref<1x64xi32, #tpu.memory_space<vmem>>
    %dma_start3A_112 = tpu.memref_squeeze %dma_start3A_111 : memref<1x64xi32, #tpu.memory_space<vmem>> -> memref<64xi32, #tpu.memory_space<vmem>>
    %dma_start3A_113 = arith.constant 0 : i32
    %dma_start3A_114 = arith.constant 0 : i32
    %dma_start3A_115 = tpu.memref_slice %arg2[%dma_start3A_113, %dma_start3A_114] : memref<10000x128xf32, #tpu.memory_space<hbm>> -> memref<10000x128xf32, #tpu.memory_space<hbm>>
    tpu.enqueue_indirect_dma source(%dma_start3A_115 : memref<10000x128xf32, #tpu.memory_space<hbm>>) target(%arg13 : memref<64x128xf32, #tpu.memory_space<vmem>>) offsets(%dma_start3A_112 : memref<64xi32, #tpu.memory_space<vmem>>) semaphore(%arg16 : memref<!tpu.dma_semaphore, #tpu.memory_space<semaphore_mem>>)
    %dma_wait3A_116 = arith.constant 158 : i32
    %dma_wait3A_117 = arith.constant 0 : i32
    %dma_wait3A_118 = tpu.memref_slice %arg10[%dma_wait3A_116, %dma_wait3A_117] : memref<160x64xi32, #tpu.memory_space<vmem>> -> memref<1x64xi32, #tpu.memory_space<vmem>>
    %dma_wait3A_119 = tpu.memref_squeeze %dma_wait3A_118 : memref<1x64xi32, #tpu.memory_space<vmem>> -> memref<64xi32, #tpu.memory_space<vmem>>
    %dma_wait3A_120 = arith.constant 0 : i32
    %dma_wait3A_121 = arith.constant 0 : i32
    %dma_wait3A_122 = tpu.memref_slice %arg2[%dma_wait3A_120, %dma_wait3A_121] : memref<10000x128xf32, #tpu.memory_space<hbm>> -> memref<10000x128xf32, #tpu.memory_space<hbm>>
    tpu.wait_indirect_dma semaphore(%arg15 : memref<!tpu.dma_semaphore, #tpu.memory_space<semaphore_mem>>) src(%dma_wait3A_122 : memref<10000x128xf32, #tpu.memory_space<hbm>>) dst(%arg12 : memref<64x128xf32, #tpu.memory_space<vmem>>)
    %run_scoped3A = arith.constant 158 : i32
    "tpu.region"() ({
      %run_scoped3A_143 = tpu.sem_alloc : memref<!tpu.dma_semaphore, #tpu.memory_space<semaphore_mem>>
      %dma_start3A_144 = arith.constant 0 : i32
      %dma_start3A_145 = tpu.memref_slice %arg11[%run_scoped3A, %dma_start3A_144] : memref<160x64xi32, #tpu.memory_space<vmem>> -> memref<1x64xi32, #tpu.memory_space<vmem>>
      %dma_start3A_146 = tpu.memref_squeeze %dma_start3A_145 : memref<1x64xi32, #tpu.memory_space<vmem>> -> memref<64xi32, #tpu.memory_space<vmem>>
      %dma_start3A_147 = arith.constant 0 : i32
      %dma_start3A_148 = arith.constant 0 : i32
      %dma_start3A_149 = tpu.memref_slice %arg17[%dma_start3A_147, %dma_start3A_148] : memref<10000x128xf32, #tpu.memory_space<vmem_shared>> -> memref<10000x128xf32, #tpu.memory_space<vmem_shared>>
      tpu.enqueue_indirect_dma source(%arg12 : memref<64x128xf32, #tpu.memory_space<vmem>>) target(%dma_start3A_149 : memref<10000x128xf32, #tpu.memory_space<vmem_shared>>) offsets(%dma_start3A_146 : memref<64xi32, #tpu.memory_space<vmem>>) semaphore(%run_scoped3A_143 : memref<!tpu.dma_semaphore, #tpu.memory_space<semaphore_mem>>) {add = true}
      %dma_wait3A_150 = arith.constant 0 : i32
      %dma_wait3A_151 = tpu.memref_slice %arg11[%run_scoped3A, %dma_wait3A_150] : memref<160x64xi32, #tpu.memory_space<vmem>> -> memref<1x64xi32, #tpu.memory_space<vmem>>
      %dma_wait3A_152 = tpu.memref_squeeze %dma_wait3A_151 : memref<1x64xi32, #tpu.memory_space<vmem>> -> memref<64xi32, #tpu.memory_space<vmem>>
      %dma_wait3A_153 = arith.constant 0 : i32
      %dma_wait3A_154 = arith.constant 0 : i32
      %dma_wait3A_155 = tpu.memref_slice %arg17[%dma_wait3A_153, %dma_wait3A_154] : memref<10000x128xf32, #tpu.memory_space<vmem_shared>> -> memref<10000x128xf32, #tpu.memory_space<vmem_shared>>
      tpu.wait_indirect_dma semaphore(%run_scoped3A_143 : memref<!tpu.dma_semaphore, #tpu.memory_space<semaphore_mem>>) src(%arg12 : memref<64x128xf32, #tpu.memory_space<vmem>>) dst(%dma_wait3A_155 : memref<10000x128xf32, #tpu.memory_space<vmem_shared>>)
      tpu.yield
    }) : () -> ()
    %run_scoped3A_123 = arith.constant 158 : i32
    "tpu.region"() ({
      %run_scoped3A_143 = tpu.sem_alloc : memref<!tpu.dma_semaphore, #tpu.memory_space<semaphore_mem>>
      %dma_start3A_144 = arith.constant 0 : i32
      %dma_start3A_145 = tpu.memref_slice %arg11[%run_scoped3A_123, %dma_start3A_144] : memref<160x64xi32, #tpu.memory_space<vmem>> -> memref<1x64xi32, #tpu.memory_space<vmem>>
      %dma_start3A_146 = tpu.memref_squeeze %dma_start3A_145 : memref<1x64xi32, #tpu.memory_space<vmem>> -> memref<64xi32, #tpu.memory_space<vmem>>
      %dma_start3A_147 = arith.constant 0 : i32
      %dma_start3A_148 = arith.constant 0 : i32
      %dma_start3A_149 = tpu.memref_slice %arg18[%dma_start3A_147, %dma_start3A_148] : memref<10000x8xf32, #tpu.memory_space<vmem_shared>> -> memref<10000x8xf32, #tpu.memory_space<vmem_shared>>
      tpu.enqueue_indirect_dma source(%arg14 : memref<64x8xf32, #tpu.memory_space<vmem>>) target(%dma_start3A_149 : memref<10000x8xf32, #tpu.memory_space<vmem_shared>>) offsets(%dma_start3A_146 : memref<64xi32, #tpu.memory_space<vmem>>) semaphore(%run_scoped3A_143 : memref<!tpu.dma_semaphore, #tpu.memory_space<semaphore_mem>>) {add = true}
      %dma_wait3A_150 = arith.constant 0 : i32
      %dma_wait3A_151 = tpu.memref_slice %arg11[%run_scoped3A_123, %dma_wait3A_150] : memref<160x64xi32, #tpu.memory_space<vmem>> -> memref<1x64xi32, #tpu.memory_space<vmem>>
      %dma_wait3A_152 = tpu.memref_squeeze %dma_wait3A_151 : memref<1x64xi32, #tpu.memory_space<vmem>> -> memref<64xi32, #tpu.memory_space<vmem>>
      %dma_wait3A_153 = arith.constant 0 : i32
      %dma_wait3A_154 = arith.constant 0 : i32
      %dma_wait3A_155 = tpu.memref_slice %arg18[%dma_wait3A_153, %dma_wait3A_154] : memref<10000x8xf32, #tpu.memory_space<vmem_shared>> -> memref<10000x8xf32, #tpu.memory_space<vmem_shared>>
      tpu.wait_indirect_dma semaphore(%run_scoped3A_143 : memref<!tpu.dma_semaphore, #tpu.memory_space<semaphore_mem>>) src(%arg14 : memref<64x8xf32, #tpu.memory_space<vmem>>) dst(%dma_wait3A_155 : memref<10000x8xf32, #tpu.memory_space<vmem_shared>>)
      tpu.yield
    }) : () -> ()
    %dma_wait3A_124 = arith.constant 159 : i32
    %dma_wait3A_125 = arith.constant 0 : i32
    %dma_wait3A_126 = tpu.memref_slice %arg10[%dma_wait3A_124, %dma_wait3A_125] : memref<160x64xi32, #tpu.memory_space<vmem>> -> memref<1x64xi32, #tpu.memory_space<vmem>>
    %dma_wait3A_127 = tpu.memref_squeeze %dma_wait3A_126 : memref<1x64xi32, #tpu.memory_space<vmem>> -> memref<64xi32, #tpu.memory_space<vmem>>
    %dma_wait3A_128 = arith.constant 0 : i32
    %dma_wait3A_129 = arith.constant 0 : i32
    %dma_wait3A_130 = tpu.memref_slice %arg2[%dma_wait3A_128, %dma_wait3A_129] : memref<10000x128xf32, #tpu.memory_space<hbm>> -> memref<10000x128xf32, #tpu.memory_space<hbm>>
    tpu.wait_indirect_dma semaphore(%arg16 : memref<!tpu.dma_semaphore, #tpu.memory_space<semaphore_mem>>) src(%dma_wait3A_130 : memref<10000x128xf32, #tpu.memory_space<hbm>>) dst(%arg13 : memref<64x128xf32, #tpu.memory_space<vmem>>)
    %run_scoped3A_131 = arith.constant 159 : i32
    "tpu.region"() ({
      %run_scoped3A_143 = tpu.sem_alloc : memref<!tpu.dma_semaphore, #tpu.memory_space<semaphore_mem>>
      %dma_start3A_144 = arith.constant 0 : i32
      %dma_start3A_145 = tpu.memref_slice %arg11[%run_scoped3A_131, %dma_start3A_144] : memref<160x64xi32, #tpu.memory_space<vmem>> -> memref<1x64xi32, #tpu.memory_space<vmem>>
      %dma_start3A_146 = tpu.memref_squeeze %dma_start3A_145 : memref<1x64xi32, #tpu.memory_space<vmem>> -> memref<64xi32, #tpu.memory_space<vmem>>
      %dma_start3A_147 = arith.constant 0 : i32
      %dma_start3A_148 = arith.constant 0 : i32
      %dma_start3A_149 = tpu.memref_slice %arg17[%dma_start3A_147, %dma_start3A_148] : memref<10000x128xf32, #tpu.memory_space<vmem_shared>> -> memref<10000x128xf32, #tpu.memory_space<vmem_shared>>
      tpu.enqueue_indirect_dma source(%arg13 : memref<64x128xf32, #tpu.memory_space<vmem>>) target(%dma_start3A_149 : memref<10000x128xf32, #tpu.memory_space<vmem_shared>>) offsets(%dma_start3A_146 : memref<64xi32, #tpu.memory_space<vmem>>) semaphore(%run_scoped3A_143 : memref<!tpu.dma_semaphore, #tpu.memory_space<semaphore_mem>>) {add = true}
      %dma_wait3A_150 = arith.constant 0 : i32
      %dma_wait3A_151 = tpu.memref_slice %arg11[%run_scoped3A_131, %dma_wait3A_150] : memref<160x64xi32, #tpu.memory_space<vmem>> -> memref<1x64xi32, #tpu.memory_space<vmem>>
      %dma_wait3A_152 = tpu.memref_squeeze %dma_wait3A_151 : memref<1x64xi32, #tpu.memory_space<vmem>> -> memref<64xi32, #tpu.memory_space<vmem>>
      %dma_wait3A_153 = arith.constant 0 : i32
      %dma_wait3A_154 = arith.constant 0 : i32
      %dma_wait3A_155 = tpu.memref_slice %arg17[%dma_wait3A_153, %dma_wait3A_154] : memref<10000x128xf32, #tpu.memory_space<vmem_shared>> -> memref<10000x128xf32, #tpu.memory_space<vmem_shared>>
      tpu.wait_indirect_dma semaphore(%run_scoped3A_143 : memref<!tpu.dma_semaphore, #tpu.memory_space<semaphore_mem>>) src(%arg13 : memref<64x128xf32, #tpu.memory_space<vmem>>) dst(%dma_wait3A_155 : memref<10000x128xf32, #tpu.memory_space<vmem_shared>>)
      tpu.yield
    }) : () -> ()
    %run_scoped3A_132 = arith.constant 159 : i32
    "tpu.region"() ({
      %run_scoped3A_143 = tpu.sem_alloc : memref<!tpu.dma_semaphore, #tpu.memory_space<semaphore_mem>>
      %dma_start3A_144 = arith.constant 0 : i32
      %dma_start3A_145 = tpu.memref_slice %arg11[%run_scoped3A_132, %dma_start3A_144] : memref<160x64xi32, #tpu.memory_space<vmem>> -> memref<1x64xi32, #tpu.memory_space<vmem>>
      %dma_start3A_146 = tpu.memref_squeeze %dma_start3A_145 : memref<1x64xi32, #tpu.memory_space<vmem>> -> memref<64xi32, #tpu.memory_space<vmem>>
      %dma_start3A_147 = arith.constant 0 : i32
      %dma_start3A_148 = arith.constant 0 : i32
      %dma_start3A_149 = tpu.memref_slice %arg18[%dma_start3A_147, %dma_start3A_148] : memref<10000x8xf32, #tpu.memory_space<vmem_shared>> -> memref<10000x8xf32, #tpu.memory_space<vmem_shared>>
      tpu.enqueue_indirect_dma source(%arg14 : memref<64x8xf32, #tpu.memory_space<vmem>>) target(%dma_start3A_149 : memref<10000x8xf32, #tpu.memory_space<vmem_shared>>) offsets(%dma_start3A_146 : memref<64xi32, #tpu.memory_space<vmem>>) semaphore(%run_scoped3A_143 : memref<!tpu.dma_semaphore, #tpu.memory_space<semaphore_mem>>) {add = true}
      %dma_wait3A_150 = arith.constant 0 : i32
      %dma_wait3A_151 = tpu.memref_slice %arg11[%run_scoped3A_132, %dma_wait3A_150] : memref<160x64xi32, #tpu.memory_space<vmem>> -> memref<1x64xi32, #tpu.memory_space<vmem>>
      %dma_wait3A_152 = tpu.memref_squeeze %dma_wait3A_151 : memref<1x64xi32, #tpu.memory_space<vmem>> -> memref<64xi32, #tpu.memory_space<vmem>>
      %dma_wait3A_153 = arith.constant 0 : i32
      %dma_wait3A_154 = arith.constant 0 : i32
      %dma_wait3A_155 = tpu.memref_slice %arg18[%dma_wait3A_153, %dma_wait3A_154] : memref<10000x8xf32, #tpu.memory_space<vmem_shared>> -> memref<10000x8xf32, #tpu.memory_space<vmem_shared>>
      tpu.wait_indirect_dma semaphore(%run_scoped3A_143 : memref<!tpu.dma_semaphore, #tpu.memory_space<semaphore_mem>>) src(%arg14 : memref<64x8xf32, #tpu.memory_space<vmem>>) dst(%dma_wait3A_155 : memref<10000x8xf32, #tpu.memory_space<vmem_shared>>)
      tpu.yield
    }) : () -> ()
    %barrier3A_133 = arith.constant 0 : index
    tpu.barrier barrier_id(%barrier3A_133)
    %mul3A_134 = arith.constant 625 : i32
    %mul3A_135 = arith.muli %arg1, %mul3A_134 : i32
    %mul3A_136 = arith.constant 625 : i32
    %mul3A_137 = arith.muli %arg1, %mul3A_136 : i32
    "tpu.region"() ({
      %run_scoped3A_143 = tpu.sem_alloc : memref<!tpu.dma_semaphore, #tpu.memory_space<semaphore_mem>>
      %dma_start3A_144 = arith.constant 0 : i32
      %dma_start3A_145 = tpu.memref_slice %arg7[%arg0, %mul3A_137, %dma_start3A_144] : memref<2x10000x128xf32, #tpu.memory_space<hbm>> -> memref<1x625x128xf32, #tpu.memory_space<hbm>>
      %dma_start3A_146 = tpu.memref_squeeze %dma_start3A_145 : memref<1x625x128xf32, #tpu.memory_space<hbm>> -> memref<625x128xf32, #tpu.memory_space<hbm>>
      %dma_start3A_147 = arith.constant 0 : i32
      %dma_start3A_148 = tpu.memref_slice %arg17[%mul3A_135, %dma_start3A_147] : memref<10000x128xf32, #tpu.memory_space<vmem_shared>> -> memref<625x128xf32, #tpu.memory_space<vmem_shared>>
      tpu.enqueue_dma source(%dma_start3A_148 : memref<625x128xf32, #tpu.memory_space<vmem_shared>>) target(%dma_start3A_146 : memref<625x128xf32, #tpu.memory_space<hbm>>) target_semaphore(%run_scoped3A_143 : memref<!tpu.dma_semaphore, #tpu.memory_space<semaphore_mem>>)
      %dma_wait3A_149 = arith.constant 0 : i32
      %dma_wait3A_150 = tpu.memref_slice %arg7[%arg0, %mul3A_137, %dma_wait3A_149] : memref<2x10000x128xf32, #tpu.memory_space<hbm>> -> memref<1x625x128xf32, #tpu.memory_space<hbm>>
      %dma_wait3A_151 = tpu.memref_squeeze %dma_wait3A_150 : memref<1x625x128xf32, #tpu.memory_space<hbm>> -> memref<625x128xf32, #tpu.memory_space<hbm>>
      %dma_wait3A_152 = arith.constant 0 : i32
      %dma_wait3A_153 = tpu.memref_slice %arg17[%mul3A_135, %dma_wait3A_152] : memref<10000x128xf32, #tpu.memory_space<vmem_shared>> -> memref<625x128xf32, #tpu.memory_space<vmem_shared>>
      tpu.wait_dma2 semaphore(%run_scoped3A_143 : memref<!tpu.dma_semaphore, #tpu.memory_space<semaphore_mem>>) src(%dma_wait3A_153 : memref<625x128xf32, #tpu.memory_space<vmem_shared>>) dst(%dma_wait3A_151 : memref<625x128xf32, #tpu.memory_space<hbm>>)
      tpu.yield
    }) : () -> ()
    %lt3A_138 = arith.constant 5 : i32
    %lt3A_139 = arith.cmpi slt, %arg1, %lt3A_138 : i32
    %convert_element_type3A_140 = arith.extui %lt3A_139 : i1 to i32
    %cond3A_141 = arith.constant 0 : i32
    %cond3A_142 = arith.cmpi ne, %convert_element_type3A_140, %cond3A_141 : i32
    scf.if %cond3A_142 {
      %mul3A_143 = arith.constant 2000 : i32
      %mul3A_144 = arith.muli %arg1, %mul3A_143 : i32
      %mul3A_145 = arith.constant 2000 : i32
      %mul3A_146 = arith.muli %arg1, %mul3A_145 : i32
      "tpu.region"() ({
        %run_scoped3A_147 = tpu.sem_alloc : memref<!tpu.dma_semaphore, #tpu.memory_space<semaphore_mem>>
        %dma_start3A_148 = arith.constant 0 : i32
        %dma_start3A_149 = tpu.memref_slice %arg8[%arg0, %mul3A_146, %dma_start3A_148] : memref<2x10000x8xf32, #tpu.memory_space<hbm>> -> memref<1x2000x8xf32, #tpu.memory_space<hbm>>
        %dma_start3A_150 = tpu.memref_squeeze %dma_start3A_149 : memref<1x2000x8xf32, #tpu.memory_space<hbm>> -> memref<2000x8xf32, #tpu.memory_space<hbm>>
        %dma_start3A_151 = arith.constant 0 : i32
        %dma_start3A_152 = tpu.memref_slice %arg18[%mul3A_144, %dma_start3A_151] : memref<10000x8xf32, #tpu.memory_space<vmem_shared>> -> memref<2000x8xf32, #tpu.memory_space<vmem_shared>>
        tpu.enqueue_dma source(%dma_start3A_152 : memref<2000x8xf32, #tpu.memory_space<vmem_shared>>) target(%dma_start3A_150 : memref<2000x8xf32, #tpu.memory_space<hbm>>) target_semaphore(%run_scoped3A_147 : memref<!tpu.dma_semaphore, #tpu.memory_space<semaphore_mem>>)
        %dma_wait3A_153 = arith.constant 0 : i32
        %dma_wait3A_154 = tpu.memref_slice %arg8[%arg0, %mul3A_146, %dma_wait3A_153] : memref<2x10000x8xf32, #tpu.memory_space<hbm>> -> memref<1x2000x8xf32, #tpu.memory_space<hbm>>
        %dma_wait3A_155 = tpu.memref_squeeze %dma_wait3A_154 : memref<1x2000x8xf32, #tpu.memory_space<hbm>> -> memref<2000x8xf32, #tpu.memory_space<hbm>>
        %dma_wait3A_156 = arith.constant 0 : i32
        %dma_wait3A_157 = tpu.memref_slice %arg18[%mul3A_144, %dma_wait3A_156] : memref<10000x8xf32, #tpu.memory_space<vmem_shared>> -> memref<2000x8xf32, #tpu.memory_space<vmem_shared>>
        tpu.wait_dma2 semaphore(%run_scoped3A_147 : memref<!tpu.dma_semaphore, #tpu.memory_space<semaphore_mem>>) src(%dma_wait3A_157 : memref<2000x8xf32, #tpu.memory_space<vmem_shared>>) dst(%dma_wait3A_155 : memref<2000x8xf32, #tpu.memory_space<hbm>>)
        tpu.yield
      }) : () -> ()
    } else {
    }
    return
  }
}

module attributes {stable_mosaic.version = 14 : i64} {
  func.func @_tc_body(%arg0: i32, %arg1: memref<1024x128xf32, #tpu.memory_space<vmem>>, %arg2: memref<2x1024x128xf32, #tpu.memory_space<vmem>>, %arg3: memref<2x1024x8xf32, #tpu.memory_space<vmem>>, %arg4: memref<128x256xf32, #tpu.memory_space<vmem>>, %arg5: memref<128x1024xf32, #tpu.memory_space<vmem>>) attributes {dimension_semantics = [#tpu.dimension_semantics<arbitrary>], iteration_bounds = array<i64: 10>, scalar_prefetch = 0 : i64, scratch_operands = 0 : i64, tpu.core_type = #tpu.core_type<tc>, window_params = [{transform_indices = @transform_0, window_bounds = array<i64: 1024, 128>}, {transform_indices = @transform_1, window_bounds = array<i64: 2, 1024, 128>}, {transform_indices = @transform_2, window_bounds = array<i64: 2, 1024, 8>}, {pipeline_mode = #tpu.pipeline_mode<synchronous>, transform_indices = @transform_3, window_bounds = array<i64: 128, 256>}, {transform_indices = @transform_4, window_bounds = array<i64: 128, 1024>}]} {
    %get3A = arith.constant 0 : index
    %get3A_0 = arith.constant 0 : index
    %get3A_1 = arith.constant 0 : index
    %get3A_2 = vector.load %arg2[%get3A, %get3A_0, %get3A_1] : memref<2x1024x128xf32, #tpu.memory_space<vmem>>, vector<1x1024x128xf32>
    %get3A_3 = vector.shape_cast %get3A_2 : vector<1x1024x128xf32> to vector<1024x128xf32>
    %get3A_4 = arith.constant 1 : index
    %get3A_5 = arith.constant 0 : index
    %get3A_6 = arith.constant 0 : index
    %get3A_7 = vector.load %arg2[%get3A_4, %get3A_5, %get3A_6] : memref<2x1024x128xf32, #tpu.memory_space<vmem>>, vector<1x1024x128xf32>
    %get3A_8 = vector.shape_cast %get3A_7 : vector<1x1024x128xf32> to vector<1024x128xf32>
    %add3A = arith.addf %get3A_3, %get3A_8 : vector<1024x128xf32>
    %get3A_9 = arith.constant 0 : index
    %get3A_10 = arith.constant 0 : index
    %get3A_11 = arith.constant 0 : index
    %get3A_12 = vector.load %arg3[%get3A_9, %get3A_10, %get3A_11] : memref<2x1024x8xf32, #tpu.memory_space<vmem>>, vector<1x1024x1xf32>
    %get3A_13 = vector.shape_cast %get3A_12 : vector<1x1024x1xf32> to vector<1024x1xf32>
    %get3A_14 = arith.constant 1 : index
    %get3A_15 = arith.constant 0 : index
    %get3A_16 = arith.constant 0 : index
    %get3A_17 = vector.load %arg3[%get3A_14, %get3A_15, %get3A_16] : memref<2x1024x8xf32, #tpu.memory_space<vmem>>, vector<1x1024x1xf32>
    %get3A_18 = vector.shape_cast %get3A_17 : vector<1x1024x1xf32> to vector<1024x1xf32>
    %add3A_19 = arith.addf %get3A_13, %get3A_18 : vector<1024x1xf32>
    %iota3A = tpu.iota {dimensions = array<i32: 0>} : vector<1024x1xi32>
    %eq3A = arith.constant 0 : i32
    %eq3A_20 = vector.broadcast %eq3A : i32 to vector<1024x1xi32>
    %eq3A_21 = arith.cmpi eq, %iota3A, %eq3A_20 : vector<1024x1xi32>
    %eq3A_22 = arith.constant 0 : i32
    %eq3A_23 = arith.cmpi eq, %arg0, %eq3A_22 : i32
    %and3A = vector.broadcast %eq3A_23 : i1 to vector<1024x1xi1>
    %and3A_24 = arith.andi %eq3A_21, %and3A : vector<1024x1xi1>
    %jit3A = arith.constant 7.680000e+03 : f32
    %jit3A_25 = arith.constant 0.000000e+00 : f32
    %broadcast_in_dim3A = vector.broadcast %jit3A : f32 to vector<1024x1xf32>
    %broadcast_in_dim3A_26 = vector.broadcast %jit3A_25 : f32 to vector<1024x1xf32>
    %select_n3A = arith.select %and3A_24, %broadcast_in_dim3A, %broadcast_in_dim3A_26 : vector<1024x1xi1>, vector<1024x1xf32>
    %get3A_27 = arith.constant 0 : index
    %get3A_28 = arith.constant 0 : index
    %get3A_29 = vector.load %arg1[%get3A_27, %get3A_28] : memref<1024x128xf32, #tpu.memory_space<vmem>>, vector<1024x128xf32>
    %mul3A = vector.broadcast %select_n3A : vector<1024x1xf32> to vector<1024x128xf32>
    %mul3A_30 = arith.mulf %mul3A, %get3A_29 : vector<1024x128xf32>
    %sub3A = arith.subf %add3A, %mul3A_30 : vector<1024x128xf32>
    %sub3A_31 = arith.subf %add3A_19, %select_n3A : vector<1024x1xf32>
    %max3A = arith.constant 1.000000e+00 : f32
    %max3A_32 = vector.broadcast %max3A : f32 to vector<1024x1xf32>
    %max3A_33 = arith.maximumf %sub3A_31, %max3A_32 : vector<1024x1xf32>
    %div3A = vector.broadcast %max3A_33 : vector<1024x1xf32> to vector<1024x128xf32>
    %div3A_34 = arith.divf %sub3A, %div3A : vector<1024x128xf32>
    %get3A_35 = arith.constant 0 : index
    %get3A_36 = arith.constant 0 : index
    %get3A_37 = vector.load %arg4[%get3A_35, %get3A_36] : memref<128x256xf32, #tpu.memory_space<vmem>>, vector<128x128xf32>
    %get3A_38 = arith.constant 0 : index
    %get3A_39 = arith.constant 128 : index
    %get3A_40 = vector.load %arg4[%get3A_38, %get3A_39] : memref<128x256xf32, #tpu.memory_space<vmem>>, vector<128x128xf32>
    %get3A_41 = arith.constant 0 : index
    %get3A_42 = arith.constant 0 : index
    %get3A_43 = vector.load %arg1[%get3A_41, %get3A_42] : memref<1024x128xf32, #tpu.memory_space<vmem>>, vector<1024x128xf32>
    %dot_general3A = arith.constant dense<0.000000e+00> : vector<128x1024xf32>
    %dot_general3A_44 = tpu.matmul %get3A_37, %get3A_43, %dot_general3A {dimension_numbers = #tpu.dot_dimension_numbers<[1], [1], [0], [0], [0, 0, 1, 0], [], []>, precision = #tpu.contract_precision<fp32>, transpose_lhs_hint = false} : vector<128x128xf32>, vector<1024x128xf32>, vector<128x1024xf32> -> vector<128x1024xf32>
    %dot_general3A_45 = arith.constant dense<0.000000e+00> : vector<128x1024xf32>
    %dot_general3A_46 = tpu.matmul %get3A_40, %div3A_34, %dot_general3A_45 {dimension_numbers = #tpu.dot_dimension_numbers<[1], [1], [0], [0], [0, 0, 1, 0], [], []>, precision = #tpu.contract_precision<fp32>, transpose_lhs_hint = false} : vector<128x128xf32>, vector<1024x128xf32>, vector<128x1024xf32> -> vector<128x1024xf32>
    %add3A_47 = arith.addf %dot_general3A_44, %dot_general3A_46 : vector<128x1024xf32>
    %max3A_48 = arith.constant 0.000000e+00 : f32
    %max3A_49 = vector.broadcast %max3A_48 : f32 to vector<128x1024xf32>
    %max3A_50 = arith.maximumf %add3A_47, %max3A_49 : vector<128x1024xf32>
    %swap3A = arith.constant 0 : index
    %swap3A_51 = arith.constant 0 : index
    %swap3A_52 = vector.load %arg5[%swap3A, %swap3A_51] : memref<128x1024xf32, #tpu.memory_space<vmem>>, vector<128x1024xf32>
    tpu.vector_store %arg5[%swap3A, %swap3A_51], %max3A_50 {strides = array<i32>} : memref<128x1024xf32, #tpu.memory_space<vmem>>, vector<128x1024xf32>,
    return
  }
  func.func @transform_0(%arg0: i32) -> (i32, i32) {
    %c0_i32 = arith.constant 0 : i32
    %c0_i32_0 = arith.constant 0 : i32
    return %arg0, %c0_i32 : i32, i32
  }
  func.func @transform_1(%arg0: i32) -> (i32, i32, i32) {
    %c0_i32 = arith.constant 0 : i32
    %c0_i32_0 = arith.constant 0 : i32
    %c0_i32_1 = arith.constant 0 : i32
    return %c0_i32, %arg0, %c0_i32_0 : i32, i32, i32
  }
  func.func @transform_2(%arg0: i32) -> (i32, i32, i32) {
    %c0_i32 = arith.constant 0 : i32
    %c0_i32_0 = arith.constant 0 : i32
    %c0_i32_1 = arith.constant 0 : i32
    return %c0_i32, %arg0, %c0_i32_0 : i32, i32, i32
  }
  func.func @transform_3(%arg0: i32) -> (i32, i32) {
    %c0_i32 = arith.constant 0 : i32
    %c0_i32_0 = arith.constant 0 : i32
    %c0_i32_1 = arith.constant 0 : i32
    return %c0_i32, %c0_i32_0 : i32, i32
  }
  func.func @transform_4(%arg0: i32) -> (i32, i32) {
    %c0_i32 = arith.constant 0 : i32
    %c0_i32_0 = arith.constant 0 : i32
    return %c0_i32, %arg0 : i32, i32
  }
}

</mosaic_0001>

<sc_bundles>
// kernel: kernel.4.cloned.1.call-start
scs
__scs_entry_jumppad:
0x0: {  	(pc) =	sbr.rel $0x88, $3  }
0x1: {  	(tag) =	ssettag $0x0;
	lr =	simm.s32 $0x1  }
0x2: {  	[smem:$0x3F9E] =	sst lr;
	_ =	strace $0xD0000000  }
0x3: {  	_ = 	snop  }
0x4: {  	_ = 	snop  }
0x5: {  	_ = 	snop  }
0x6: {  	_ = 	snop  }
0x7: {  	_ = 	snop  }
__scs_overlays_trampoline_lowered:
0x8: {  	[smem:$0x3FAD] =	sst s0  }
0x9: {  	[smem:$0x3FAE] =	sst s1  }
0xa: {  	[smem:$0x3FAF] =	sst s2  }
0xb: {  	[smem:$0x3FB0] =	sst s3  }
0xc: {  	[smem:$0x3FB1] =	sst s4  }
0xd: {  	[smem:$0x3FB2] =	sst s5  }
0xe: {  	[smem:$0x3FB3] =	sst s6  }
0xf: {  	[smem:$0x3FB4] =	sst s7  }
0x10: {  	[smem:$0x3FB5] =	sst s8  }
0x11: {  	[smem:$0x3FB6] =	sst s9;
	s0 =	simm.s32 @!p0 $0x0  }
0x12: {  	s1 =	sld [smem:$0x3F9C];
	s0 =	simm.s32 @p0 $0x1  }
0x13: {  	[smem:$0x3FB7] =	sst s0;
	s0 =	simm.s32 @!p1 $0x0  }
0x14: {  	s2 =	sld [smem:$0x3F9B];
	s0 =	simm.s32 @p1 $0x1  }
0x15: {  	[smem:$0x3FB8] =	sst s0;
	s0 =	simm.s32 @!p2 $0x0  }
0x16: {  	s3 =	sld [smem:$0x3FDB];
	s0 =	simm.s32 @p2 $0x1  }
0x17: {  	s4 =	simm.s32 $0x1BF5;
	[smem:$0x3FBA] =	sst s0  }
0x18: {  	s0 =	sld [smem:$0x3F9D];
	_ =	swait.ge [sflag:s4], $0x0  }
0x19: {  	s7 =	sld [smem:$0x3F9E]  }
0x1a: {  	s8 =	sadd.s32 $0xFFFFE003, lr  }
0x1b: {  	s9 =	sadd.s32 $0xFFFFFEF7, lr;
	s5 =	simm.s32 $0xFFFFFFFF;
	p2 =	slt.u32 s8, $0xFFFFF086  }
0x1c: {  	p1 =	slt.u32 s9, $0xF7A;
	s5 =	simm.s32 @!p2 $0x0  }
0x1d: {  	s5 =	simm.s32 @p1 $0x1;
	p0 =	seq.s32 s7, s2  }
0x1e: {  	s7 =	smul.u32 @!p0 $0xF7A, s2;
	p2 =	seq.s32 @!p0 s5, $0x0  }
0x1f: {  	s9 =	smul.u32 $0xF7A, s1;
	s8 =	simm.s32 @!p0 $0x1BF5;
	p2 =	por !p2, p0  }
0x20: {  	[sflag:s8] =	ssyncset.s32 @!p0 $0xFFFFF086;
	s6 =	sadd.s32 @!p0 s3, s7;
	s7 =	simm.s32 @!p0 $0x108  }
0x21: {  	s3 =	sadd.s32 s3, s9;
	s6 =	sadd.s32 @!p0 $0x88, s6;
	s7 =	simm.s32 @p2 $0x1082  }
0x22: {  	[simem:s7], [sflag:s8] =	dma.local @!p0 [hbm:s6], $0xF7A  }
0x23: {  	s9 =	sor.u32 $0xD0000000, s2;
	s6 =	simm.s32 $0x108;
	_ =	swait.ge @!p0 [sflag:s8], $0x0  }
0x24: {  	s3 =	sadd.s32 $0x88, s3;
	s6 =	simm.s32 @!p1 $0x1082;
	[sflag:s4] =	ssyncset.s32 $0xFFFFF086  }
0x25: {  	[simem:s6], [sflag:s4] =	dma.local [hbm:s3], $0xF7A  }
0x26: {  	[smem:$0x3F9E] =	sst s1;
	(tag) =	ssettag s2;
	_ =	strace s9  }
0x27: {  	s1 =	sld [smem:$0x3FAE]  }
0x28: {  	s2 =	sld [smem:$0x3FAF]  }
0x29: {  	s4 =	sld [smem:$0x3FB1]  }
0x2a: {  	p0 =	seq.s32 s5, $0x0;
	s5 =	sld [smem:$0x3FB2]  }
0x2b: {  	s6 =	sld [smem:$0x3FB3]  }
0x2c: {  	s7 =	sld [smem:$0x3FB4]  }
0x2d: {  	s3 =	simm.s32 $0x108;
	s8 =	sld [smem:$0x3FB5]  }
0x2e: {  	s3 =	simm.s32 @!p0 $0x1082;
	s9 =	sld [smem:$0x3FB6]  }
0x2f: {  	lr =	sadd.s32 s0, s3;
	s0 =	sld [smem:$0x3FAD]  }
0x30: {  	s3 =	sld [smem:$0x3FB0]  }
0x31: {  	[smem:$0x3FB9] =	sst s10  }
0x32: {  	s10 =	sld [smem:$0x3FB7];
	_ =	sdelay $0x3  }
0x33: {  	p0 =	seq.s32 s10, $0x1;
	s10 =	sld [smem:$0x3FB9];
	_ =	sdelay $0x3  }
0x34: {  	[smem:$0x3FB9] =	sst s10  }
0x35: {  	s10 =	sld [smem:$0x3FB8];
	_ =	sdelay $0x3  }
0x36: {  	p1 =	seq.s32 s10, $0x1;
	s10 =	sld [smem:$0x3FB9];
	_ =	sdelay $0x3  }
0x37: {  	[smem:$0x3FB9] =	sst s10  }
0x38: {  	s10 =	sld [smem:$0x3FBA]  }
0x39: {  	_ = 	snop;
	(pc) =	sbr.ind lr, $3  }
0x3a: {  	_ = 	snop  }
0x3b: {  	_ = 	snop  }
0x3c: {  	p2 =	seq.s32 s10, $0x1;
	s10 =	sld [smem:$0x3FB9]  }
0x3d: {  	_ =	shalt  }
0x3e: {  	_ =	shalt  }
0x3f: {  	_ =	shalt  }
0x40: {  	_ =	shalt  }
0x41: {  	_ =	shalt  }
0x42: {  	_ =	shalt  }
0x43: {  	_ =	shalt  }
0x44: {  	_ =	shalt  }
0x45: {  	_ =	shalt  }
0x46: {  	_ =	shalt  }
0x47: {  	_ =	shalt  }
0x48: {  	_ =	shalt  }
0x49: {  	_ =	shalt  }
0x4a: {  	_ =	shalt  }
0x4b: {  	_ =	shalt  }
0x4c: {  	_ =	shalt  }
0x4d: {  	_ =	shalt  }
0x4e: {  	_ =	shalt  }
0x4f: {  	_ =	shalt  }
0x50: {  	_ =	shalt  }
0x51: {  	_ =	shalt  }
0x52: {  	_ =	shalt  }
0x53: {  	_ =	shalt  }
0x54: {  	_ =	shalt  }
0x55: {  	_ =	shalt  }
0x56: {  	_ =	shalt  }
0x57: {  	_ =	shalt  }
0x58: {  	_ =	shalt  }
0x59: {  	_ =	shalt  }
0x5a: {  	_ =	shalt  }
0x5b: {  	_ =	shalt  }
0x5c: {  	_ =	shalt  }
0x5d: {  	_ =	shalt  }
0x5e: {  	_ =	shalt  }
0x5f: {  	_ =	shalt  }
0x60: {  	_ =	shalt  }
0x61: {  	_ =	shalt  }
0x62: {  	_ =	shalt  }
0x63: {  	_ =	shalt  }
0x64: {  	_ =	shalt  }
0x65: {  	_ =	shalt  }
0x66: {  	_ =	shalt  }
0x67: {  	_ =	shalt  }
0x68: {  	_ =	shalt  }
0x69: {  	_ =	shalt  }
0x6a: {  	_ =	shalt  }
0x6b: {  	_ =	shalt  }
0x6c: {  	_ =	shalt  }
0x6d: {  	_ =	shalt  }
0x6e: {  	_ =	shalt  }
0x6f: {  	_ =	shalt  }
0x70: {  	_ =	shalt  }
0x71: {  	_ =	shalt  }
0x72: {  	_ =	shalt  }
0x73: {  	_ =	shalt  }
0x74: {  	_ =	shalt  }
0x75: {  	_ =	shalt  }
0x76: {  	_ =	shalt  }
0x77: {  	_ =	shalt  }
0x78: {  	_ =	shalt  }
0x79: {  	_ =	shalt  }
0x7a: {  	_ =	shalt  }
0x7b: {  	_ =	shalt  }
0x7c: {  	_ =	shalt  }
0x7d: {  	_ =	shalt  }
0x7e: {  	_ =	shalt  }
0x7f: {  	_ =	shalt  }
0x80: {  	_ =	shalt  }
0x81: {  	_ =	shalt  }
0x82: {  	_ =	shalt  }
0x83: {  	_ =	shalt  }
0x84: {  	_ =	shalt  }
0x85: {  	_ =	shalt  }
0x86: {  	_ =	shalt  }
0x87: {  	_ =	shalt  }
.Lfunc_end0:
.L_simem_size_0:
called_computation_lowered:
.L_overlay_start_0:
0x88: {  	s2 =	sld [smem:$0x3FD9]  }
0x89: {  	s3 =	sld [smem:$0x3FFE];
	_ =	sdelay $0x1  }
0x8a: {  	s1 =	srdreg.scid  }
0x8b: {  	s0 =	sand.u32 $0x1, s1  }
0x8c: {  	s17 =	sshll.u32 s0, $0xA;
	s2 =	sadd.s32 s3, s2  }
0x8d: {  	s2 =	sadd.s32 s2, s17  }
0x8e: {  	[smem:$0x3FC5] =	sst s2  }
0x8f: {  	_ = 	snop  }
0x90: {  	s2 =	sld [smem:$0x3FC9]  }
0x91: {  	s18 =	sld [smem:$0x3FD0];
	(tm) =	ssettm $0x1  }
0x92: {  	s4 =	sld [smem:$0x3FFB];
	_ =	sdelay $0x3  }
0x93: {  	_ =	strace s4  }
0x94: {  	s4 =	sld [smem:$0x3FFC];
	_ =	sdelay $0x3  }
0x95: {  	_ =	strace s4  }
0x96: {  	s4 =	sld [smem:$0x3FFD];
	_ =	sdelay $0x3  }
0x97: {  	_ =	strace s4  }
0x98: {  	_ =	strace $0x8FFFFFFF  }
0x99: {  	s19 =	sld [smem:$0x3FDB];
	_ =	sdelay $0x1  }
0x9a: {  	s5 =	simm.s32 $_scs_section_size  }
0x9b: {  	s6 =	simm.s32 $_size__tile_overlayer_lowered;
	s7 =	simm.s32 $_tile_overlayer_lowered  }
0x9c: {  	s22 =	simm.s32 $0x1BFF;
	s21 =	sshll.u32 s7, $0x1;
	s4 =	sadd.s32 s5, s19  }
0x9d: {  	s8 =	simm.s32 $0x0;
	s20 =	sshll.u32 s6, $0x1;
	s6 =	sadd.s32 s21, s4  }
0x9e: {  	[timem:s8], [sflag:s22] =	dma.local [hbm:s6], s20  }
0x9f: {  	_ =	swait.ge [sflag:s22], s20  }
0xa0: {  	s5 =	ssub.s32 $0x0, s20;
	[sflag:s22] =	ssyncset.done $0x0  }
0xa1: {  	[sflag:s22] =	ssyncadd.s32 s5;
	_ =	sdelay $0x1  }
0xa2: {  	s23 =	simm.s32 $0x1B8B  }
0xa3: {  	_ =	swait.ge [sflag:s23], $0x1  }
0xa4: {  	[sflag:s23] =	ssyncset.done $0x0  }
0xa5: {  	s25 =	simm.s32 $0x1B8E;
	s24 =	sld [smem:$0x3FFE];
	[sflag:s23] =	ssyncadd.s32 $0xFFFFFFFF  }
0xa6: {  	s26 =	simm.s32 $execute0_lowered;
	[smem:$0x3FD2] =	sst s25  }
0xa7: {  	s6 =	sshll.u32 s26, $0x1;
	_ =	strace $0x80000046;
	[dreg:$0x1] =	wrdreg $0xFFFFFFFF  }
0xa8: {  	s28 =	simm.s32 $_size_execute0_lowered;
	s4 =	sadd.s32 s4, s6;
	[dreg:$0x0] =	wrdreg $0x0  }
0xa9: {  	s6 =	sshll.u32 s28, $0x1;
	[dreg:$0x2] =	wrdreg s4  }
0xaa: {  	[dreg:$0x3] =	wrdreg s6  }
0xab: {  	[dreg:$0x4] =	wrdreg $0xC0  }
0xac: {  	_ =	task [dreg:s8], $0x5FFFF  }
0xad: {  	[dreg:$0x1] =	wrdreg $0xFFFFFFFF  }
0xae: {  	[dreg:$0x0] =	wrdreg $0x60  }
0xaf: {  	[dreg:$0x2] =	wrdreg s2  }
0xb0: {  	[dreg:$0x3] =	wrdreg s18  }
0xb1: {  	[dreg:$0x4] =	wrdreg s24  }
0xb2: {  	[dreg:$0x5] =	wrdreg $0x92A00  }
0xb3: {  	[dreg:$0x6] =	wrdreg $0x1CB200  }
0xb4: {  	[dreg:$0x7] =	wrdreg $0x9  }
0xb5: {  	_ =	task.clear_ibuf [dreg:s8], $0x8FFFF;
	_ =	strace $0x90000046  }
0xb6: {  	s29 =	simm.s32 $0x9;
	_ =	strace $0x80000048  }
0xb7: {  	_ =	swait.ge [sflag:s29], $0x1  }
0xb8: {  	[sflag:s29] =	ssyncadd.s32 $0xFFFFFFFF  }
0xb9: {  	_ =	strace $0x90000048  }
0xba: {  	_ =	sfence  }
0xbb: {  	s30 =	sld [smem:$0x0];
	_ =	sdelay $0x2  }
0xbc: {  	s31 =	sshll.u32 s1, $0xD;
	s1 =	sshrl.u32 s1, $0x2  }
0xbd: {  	s3 =	sand.u32 $0x4000, s31;
	s1 =	sadd.s32 s1, s30  }
0xbe: {  	s0 =	sor.u32 s3, s0;
	s1 =	sshll.u32 s1, $0x11  }
0xbf: {  	s0 =	sor.u32 s1, s0  }
0xc0: {  	s0 =	sadd.s32 $0x8F2B, s0  }
0xc1: {  	[sflag:s0] =	ssyncadd.remote.s32 $0x1  }
0xc2: {  	_ =	sfence.sel $0xFFFF  }
0xc3: {  	[dreg:$0x0] =	wrdreg $0xFFFFFFFF;
	(pc) =	sbr.abs _section_cstart, $3  }
0xc4: {  	[dreg:$0x1] =	wrdreg $0xFFFFFFFF  }
0xc5: {  	_ =	task.clear_ibuf [dreg:s8], $0x2FFFF;
	_ =	strace $0x9FFFFFFF  }
0xc6: {  	(tm) =	ssettm $0x7FFFFFFF  }
0xc7: {  	_ =	shalt  }
tec
execute0_lowered:
.L_overlay_start_1:
0x0: {  	(tag) =	ssettag $0x1  }
0x1: {  	s1 =	rddreg [dreg:$0x0]  }
0x2: {  	s0 =	srdreg.scid;
	s3 =	rddreg [dreg:$0x2]  }
0x3: {  	s18 =	stileid.u32;
	s4 =	rddreg [dreg:$0x3]  }
0x4: {  	s5 =	rddreg [dreg:$0x4];
	s6 =	simm.s32 $0x0;
	s10 =	smul.u32 $0x13880, s18  }
0x5: {  	s28 =	simm.s32 $0x50A0;
	s29 =	simm.s32 $0x3;
	s11 =	smul.u32 $0x3E80, s18  }
0x6: {  	s30 =	simm.s32 $0x90A0;
	s31 =	simm.s32 $0x50;
	s12 =	smul.u32 $0x4E200, s18  }
0x7: {  	s0 =	sand.u32 $0x1, s0;
	[smem:$0x7FF] =	sst s6;
	s26 =	smul.u32 $0xFA00, s18  }
0x8: {  	s7 =	sadd.s32 $0x1A00, s3;
	s13 =	sadd.s32 $0x1000, s3;
	s8 =	smul.u32 $0x138800, s0  }
0x9: {  	p0 =	sgt.u32 s18, $0x4;
	s2 =	sshll.u32 s0, $0x4;
	s9 =	smul.u32 $0x13880, s0  }
0xa: {  	_ =	strace $0x80000047;
	[dreg:$0x6] =	wrdreg s13;
	s0 =	ssub.s32 $0x2, s0  }
0xb: {  	s13 =	simm.s32 $0x0;
	s2 =	sor.u32 s18, s2;
	s12 =	sshrl.u32 s12, $0x2  }
0xc: {  	s15 =	sshrl.u32 s0, $0x1;
	s17 =	sadd.s32 s10, s4;
	s2 =	smul.u32 $0x14, s2  }
0xd: {  	s8 =	sadd.s32 s10, s8;
	s9 =	sadd.s32 s11, s9;
	s0 =	ssub.s32 s0, s15  }
0xe: {  	s15 =	sshrl.u32 s26, $0x2;
	s10 =	simm.s32 $0x2;
	s8 =	sshrl.u32 s8, $0x3  }
0xf: {  	s9 =	sshrl.u32 s9, $0x3;
	s0 =	smax.u32 s0, $0x1;
	s2 =	sadd.s32 s2, s3  }
0x10: {  	s8 =	sadd.s32 s8, s3;
	s14 =	sadd.s32 s9, s3;
	s9 =	sadd.s32 s12, s4  }
0x11: {  	s3 =	sadd.s32 $0x1040, s3;
	[dreg:$0xc] =	wrdreg s0;
	s0 =	simm.s32 $0x70A0  }
0x12: {  	s12 =	sadd.s32 $0x12000, s9;
	[dreg:$0x8] =	wrdreg s3;
	s2 =	sadd.s32 $0xC00, s2  }
0x13: {  	s16 =	sadd.s32 $0x10A00, s8;
	s23 =	sadd.s32 $0xBA00, s14;
	[dreg:$0x7] =	wrdreg s12  }
0x14: {  	s3 =	sadd.s32 s11, s5;
	s24 =	sadd.s32 $0x2000, s9;
	[dreg:$0x9] =	wrdreg s2  }
0x15: {  	s25 =	sadd.s32 $0x4000, s9;
	s26 =	sadd.s32 $0x6000, s9;
	[dreg:$0xa] =	wrdreg s16  }
0x16: {  	s19 =	sadd.s32 $0x8000, s9;
	s20 =	sadd.s32 $0xA000, s9;
	[dreg:$0xb] =	wrdreg s23  }
0x17: {  	s21 =	sadd.s32 $0xC000, s9;
	s22 =	sadd.s32 $0xE000, s9;
	[dreg:$0xd] =	wrdreg s24  }
0x18: {  	s8 =	simm.s32 $0x40;
	s11 =	simm.s32 $0x5020;
	[dreg:$0xe] =	wrdreg s25  }
0x19: {  	s12 =	sadd.s32 s15, s5;
	[dreg:$0xf] =	wrdreg s26;
	s24 =	sshrl.u32 s17, $0x3  }
0x1a: {  	s25 =	sshrl.u32 @!p0 s3, $0x3;
	s26 =	sadd.s32 $0x10000, s9;
	s3 =	simm.s32 $0xA0  }
0x1b: {  	v0 =	vimm.f32 $0.0e+00;
	s2 =	simm.s32 $0x1;
	s23 =	sshrl.u32 @!p0 s12, $0x3;
	s12 =	simm.s32 $0x5060  }
.LBB2_1:
0x1c: {  	s14 =	sand.u32 $0x7E00, s6  }
0x1d: {  	s15 =	sand.u32 $0x70, s6;
	s16 =	sshrl.u32 s14, $0x2  }
0x1e: {  	s14 =	simm.s32 $0x40;
	s16 =	sor.u32 s15, s16;
	s15 =	simm.s32 $0x0  }
.LBB2_2:
0x1f: {  	p1 =	sne.s32 s14, $0x7FC0  }
0x20: {  	[tilespmem:s16+$0x50A0] =	vst v0;
	s15 =	sadd.s32 $0x10, s15;
	s16 =	smov.u32 s14;
	s14 =	sadd.s32 $0x40, s14  }
.Ltmp0:
0x21: {  	(pc) =	sbr.rel @p1 .LBB2_2-.Ltmp0, $4  }
0x22: {  	_ = 	snop  }
0x23: {  	s16 =	sand.u32 $0x7E00, s16  }
0x24: {  	s17 =	sand.u32 $0x70, s15;
	s16 =	sshrl.u32 s16, $0x2  }
0x25: {  	s16 =	sor.u32 s17, s16  }
0x26: {  	[tilespmem:s16+$0x50A0] =	vst v0  }
0x27: {  	[spmem:s9] =	stream.linear.scatter [tilespmem:s28], [sflag:$0x3], $0x2000, $0x38;
	[tilespmem:$0x1DEA8] =	vst v63  }
0x28: {  	_ =	swait.ge [sflag:s29], $0x2000  }
0x29: {  	[sflag:s29] =	ssyncset.done $0x0  }
0x2a: {  	s14 =	rddreg [dreg:$0xd];
	[sflag:s29] =	ssyncadd.s32 $0xFFFFE000  }
0x2b: {  	[spmem:s14] =	stream.linear.scatter [tilespmem:s28], [sflag:$0x3], $0x2000, $0x38;
	[tilespmem:$0x1DEA8] =	vst v63  }
0x2c: {  	_ =	swait.ge [sflag:s29], $0x2000  }
0x2d: {  	[sflag:s29] =	ssyncset.done $0x0  }
0x2e: {  	s15 =	rddreg [dreg:$0xe];
	[sflag:s29] =	ssyncadd.s32 $0xFFFFE000  }
0x2f: {  	[spmem:s15] =	stream.linear.scatter [tilespmem:s28], [sflag:$0x3], $0x2000, $0x38;
	[tilespmem:$0x1DEA8] =	vst v63  }
0x30: {  	_ =	swait.ge [sflag:s29], $0x2000  }
0x31: {  	[sflag:s29] =	ssyncset.done $0x0  }
0x32: {  	s16 =	rddreg [dreg:$0xf];
	[sflag:s29] =	ssyncadd.s32 $0xFFFFE000  }
0x33: {  	[spmem:s16] =	stream.linear.scatter [tilespmem:s28], [sflag:$0x3], $0x2000, $0x38;
	[tilespmem:$0x1DEA8] =	vst v63  }
0x34: {  	_ =	swait.ge [sflag:s29], $0x2000  }
0x35: {  	[sflag:s29] =	ssyncset.done $0x0  }
0x36: {  	[sflag:s29] =	ssyncadd.s32 $0xFFFFE000  }
0x37: {  	[spmem:s19] =	stream.linear.scatter [tilespmem:s28], [sflag:$0x3], $0x2000, $0x38;
	[tilespmem:$0x1DEA8] =	vst v63  }
0x38: {  	_ =	swait.ge [sflag:s29], $0x2000  }
0x39: {  	[sflag:s29] =	ssyncset.done $0x0  }
0x3a: {  	[sflag:s29] =	ssyncadd.s32 $0xFFFFE000  }
0x3b: {  	[spmem:s20] =	stream.linear.scatter [tilespmem:s28], [sflag:$0x3], $0x2000, $0x38;
	[tilespmem:$0x1DEA8] =	vst v63  }
0x3c: {  	_ =	swait.ge [sflag:s29], $0x2000  }
0x3d: {  	[sflag:s29] =	ssyncset.done $0x0  }
0x3e: {  	[sflag:s29] =	ssyncadd.s32 $0xFFFFE000  }
0x3f: {  	[spmem:s21] =	stream.linear.scatter [tilespmem:s28], [sflag:$0x3], $0x2000, $0x38;
	[tilespmem:$0x1DEA8] =	vst v63  }
0x40: {  	_ =	swait.ge [sflag:s29], $0x2000  }
0x41: {  	[sflag:s29] =	ssyncset.done $0x0  }
0x42: {  	[sflag:s29] =	ssyncadd.s32 $0xFFFFE000  }
0x43: {  	[spmem:s22] =	stream.linear.scatter [tilespmem:s28], [sflag:$0x3], $0x2000, $0x38;
	[tilespmem:$0x1DEA8] =	vst v63  }
0x44: {  	_ =	swait.ge [sflag:s29], $0x2000  }
0x45: {  	[sflag:s29] =	ssyncset.done $0x0  }
0x46: {  	[sflag:s29] =	ssyncadd.s32 $0xFFFFE000  }
0x47: {  	[spmem:s26] =	stream.linear.scatter [tilespmem:s28], [sflag:$0x3], $0x2000, $0x38;
	[tilespmem:$0x1DEA8] =	vst v63  }
0x48: {  	_ =	swait.ge [sflag:s29], $0x2000  }
0x49: {  	[sflag:s29] =	ssyncset.done $0x0  }
0x4a: {  	s17 =	rddreg [dreg:$0x7];
	[sflag:s29] =	ssyncadd.s32 $0xFFFFE000  }
0x4b: {  	[spmem:s17] =	stream.linear.scatter [tilespmem:s28], [sflag:$0x3], $0x1880, $0x38;
	[tilespmem:$0x1DEA8] =	vst v63  }
0x4c: {  	_ =	swait.ge [sflag:s29], $0x1880  }
0x4d: {  	[sflag:s29] =	ssyncset.done $0x0  }
0x4e: {  	s15 =	rddreg [dreg:$0x6];
	[sflag:s29] =	ssyncadd.s32 $0xFFFFE780  }
0x4f: {  	[tilespmem:s30], [sflag:$0x3] =	stream.linear.gather [hbm4b:s15+s6], $0x200, $0x38;
	[tilespmem:$0x1DEA8] =	vst v63  }
0x50: {  	_ =	swait.ge [sflag:s29], $0x200  }
0x51: {  	s14 =	sshll.u32 @!p0 s18, $0x6;
	[sflag:s29] =	ssyncset.done $0x0  }
0x52: {  	s14 =	sor.u32 @!p0 $0x1C03, s14;
	s15 =	rddreg [dreg:$0x8];
	[sflag:s29] =	ssyncadd.s32 $0xFFFFFE00  }
0x53: {  	[spmem:s23], [sflag:s14] =	dma.local @!p0 [hbm:s15], $0x7D0  }
0x54: {  	s14 =	simm.s32 @!p0 $0x3  }
0x55: {  	_ =	swait.ge @!p0 [sflag:s14], $0x7D0  }
0x56: {  	[sflag:s14] =	ssyncset.done @!p0 $0x0  }
0x57: {  	s16 =	rddreg [dreg:$0x9];
	[sflag:s14] =	ssyncadd.s32 @!p0 $0xFFFFF830;
	s14 =	simm.s32 $0x0  }
0x58: {  	[tilespmem:s14], [sflag:$0x3] =	stream.linear.gather [hbm4b:s16+s14], $0xA0, $0x38;
	[tilespmem:$0x1DEA8] =	vst v63  }
0x59: {  	_ =	swait.ge [sflag:s29], $0xA0  }
0x5a: {  	[sflag:s29] =	ssyncset.done $0x0  }
0x5b: {  	[sflag:s29] =	ssyncadd.s32 $0xFFFFFF60  }
0x5c: {  	s17 =	rddreg [dreg:$0x1]  }
0x5d: {  	[tilespmem:s3], [sflag:$0x1] =	stream.indirect.gather [hbm4b:s17+s31], $0x40, s14, s31, $0xb8;
	[tilespmem:$0x1DEA8] =	vst v63  }
0x5e: {  	_ =	swait.ge [sflag:s2], $0x1400  }
0x5f: {  	[sflag:s2] =	ssyncset.done $0x0  }
0x60: {  	s18 =	simm.s32 $0x14A0;
	[sflag:s2] =	ssyncadd.s32 $0xFFFFEC00  }
0x61: {  	[tilespmem:s18], [sflag:$0x1] =	stream.indirect.gather [hbm4b:s17+s31], $0x40, s31, s31, $0xb8;
	[tilespmem:$0x1DEA8] =	vst v63  }
0x62: {  	_ =	swait.ge [sflag:s2], $0x1400  }
0x63: {  	[sflag:s2] =	ssyncset.done $0x0  }
0x64: {  	s17 =	simm.s32 $0x28A0;
	[sflag:s2] =	ssyncadd.s32 $0xFFFFEC00  }
0x65: {  	[tilespmem:s17], [sflag:$0x1] =	stream.indirect.gather [hbm4b:s7+s31], $0x40, s14, s31, $0xb8;
	[tilespmem:$0x1DEA8] =	vst v63  }
0x66: {  	_ =	swait.ge [sflag:s2], $0x1400  }
0x67: {  	[sflag:s2] =	ssyncset.done $0x0  }
0x68: {  	s18 =	simm.s32 $0x3CA0;
	[sflag:s2] =	ssyncadd.s32 $0xFFFFEC00  }
0x69: {  	[tilespmem:s18], [sflag:$0x1] =	stream.indirect.gather [hbm4b:s7+s31], $0x40, s31, s31, $0xb8;
	[tilespmem:$0x1DEA8] =	vst v63  }
0x6a: {  	_ =	swait.ge [sflag:s2], $0x1400  }
0x6b: {  	[sflag:s2] =	ssyncset.done $0x0  }
0x6c: {  	[sflag:s2] =	ssyncadd.s32 $0xFFFFEC00  }
0x6d: {  	[bflag:$0x0] =	sbarrier.arrive $0xFFFF  }
0x6e: {  	[tilespmem:s28], [sflag:$0x1] =	stream.indirect.gather [hbm4b:s1+s8], $0x80, s3, s8, $0xb8;
	[tilespmem:$0x1DEA8] =	vst v63  }
0x6f: {  	s15 =	simm.s32 $0xE0  }
0x70: {  	[tilespmem:s0], [sflag:$0x2] =	stream.indirect.gather [hbm4b:s1+s8], $0x80, s15, s8, $0xb8;
	[tilespmem:$0x1DEA8] =	vst v63  }
0x71: {  	_ =	swait.ge [sflag:s2], $0x2000  }
0x72: {  	[sflag:s2] =	ssyncset.done $0x0  }
0x73: {  	s16 =	simm.s32 $0x28A0;
	[sflag:s2] =	ssyncadd.s32 $0xFFFFE000  }
0x74: {  	[spmem:s4] =	stream.indirect.scatter.add.f32 [tilespmem:s28], [sflag:$0x3], $0x80, s16, s8, $0xb8;
	[tilespmem:$0x1DEA8] =	vst v63  }
0x75: {  	_ =	swait.ge [sflag:s29], $0x2000  }
0x76: {  	[sflag:s29] =	ssyncset.done $0x0  }
0x77: {  	[sflag:s29] =	ssyncadd.s32 $0xFFFFE000  }
0x78: {  	[spmem:s5] =	stream.indirect.scatter.add.f32 [tilespmem:s30], [sflag:$0x3], $0x8, s16, s8, $0xb8;
	[tilespmem:$0x1DEA8] =	vst v63  }
0x79: {  	_ =	swait.ge [sflag:s29], $0x200  }
0x7a: {  	[sflag:s29] =	ssyncset.done $0x0  }
0x7b: {  	s17 =	simm.s32 $0x120;
	[sflag:s29] =	ssyncadd.s32 $0xFFFFFE00  }
0x7c: {  	[tilespmem:s28], [sflag:$0x1] =	stream.indirect.gather [hbm4b:s1+s8], $0x80, s17, s8, $0xb8;
	[tilespmem:$0x1DEA8] =	vst v63  }
0x7d: {  	_ =	swait.ge [sflag:s10], $0x2000  }
0x7e: {  	[sflag:s10] =	ssyncset.done $0x0  }
0x7f: {  	s18 =	simm.s32 $0x28E0;
	[sflag:s10] =	ssyncadd.s32 $0xFFFFE000  }
0x80: {  	[spmem:s4] =	stream.indirect.scatter.add.f32 [tilespmem:s0], [sflag:$0x3], $0x80, s18, s8, $0xb8;
	[tilespmem:$0x1DEA8] =	vst v63  }
0x81: {  	_ =	swait.ge [sflag:s29], $0x2000  }
0x82: {  	[sflag:s29] =	ssyncset.done $0x0  }
0x83: {  	[sflag:s29] =	ssyncadd.s32 $0xFFFFE000  }
0x84: {  	[spmem:s5] =	stream.indirect.scatter.add.f32 [tilespmem:s30], [sflag:$0x3], $0x8, s18, s8, $0xb8;
	[tilespmem:$0x1DEA8] =	vst v63  }
0x85: {  	_ =	swait.ge [sflag:s29], $0x200  }
0x86: {  	s14 =	simm.s32 $0x80;
	s15 =	simm.s32 $0x400;
	[sflag:s29] =	ssyncset.done $0x0  }
.LBB2_4:
0x87: {  	s16 =	sadd.s32 $0xE0, s14  }
0x88: {  	[sflag:s29] =	ssyncadd.s32 $0xFFFFFE00;
	s17 =	smov.u32 s15;
	s18 =	sadd.s32 $0x200, s15  }
0x89: {  	[tilespmem:s0], [sflag:$0x2] =	stream.indirect.gather [hbm4b:s1+s8], $0x80, s16, s8, $0xb8;
	[tilespmem:$0x1DEA8] =	vst v63  }
0x8a: {  	p1 =	sne.s32 s15, $0x9C00;
	_ =	swait.ge [sflag:s2], $0x2000  }
0x8b: {  	[sflag:s2] =	ssyncset.done $0x0  }
0x8c: {  	s15 =	sadd.s32 $0x28A0, s14;
	[sflag:s2] =	ssyncadd.s32 $0xFFFFE000  }
0x8d: {  	[spmem:s4] =	stream.indirect.scatter.add.f32 [tilespmem:s28], [sflag:$0x3], $0x80, s15, s8, $0xb8;
	[tilespmem:$0x1DEA8] =	vst v63  }
0x8e: {  	_ =	swait.ge [sflag:s29], $0x2000  }
0x8f: {  	[sflag:s29] =	ssyncset.done $0x0  }
0x90: {  	[sflag:s29] =	ssyncadd.s32 $0xFFFFE000  }
0x91: {  	[spmem:s5] =	stream.indirect.scatter.add.f32 [tilespmem:s30], [sflag:$0x3], $0x8, s15, s8, $0xb8;
	[tilespmem:$0x1DEA8] =	vst v63  }
0x92: {  	_ =	swait.ge [sflag:s29], $0x200  }
0x93: {  	[sflag:s29] =	ssyncset.done $0x0  }
0x94: {  	s15 =	sadd.s32 $0x120, s14;
	[sflag:s29] =	ssyncadd.s32 $0xFFFFFE00  }
0x95: {  	[tilespmem:s28], [sflag:$0x1] =	stream.indirect.gather [hbm4b:s1+s8], $0x80, s15, s8, $0xb8;
	[tilespmem:$0x1DEA8] =	vst v63  }
0x96: {  	_ =	swait.ge [sflag:s10], $0x2000  }
0x97: {  	[sflag:s10] =	ssyncset.done $0x0  }
0x98: {  	s14 =	sadd.s32 $0x28E0, s14;
	[sflag:s10] =	ssyncadd.s32 $0xFFFFE000  }
0x99: {  	[spmem:s4] =	stream.indirect.scatter.add.f32 [tilespmem:s0], [sflag:$0x3], $0x80, s14, s8, $0xb8;
	[tilespmem:$0x1DEA8] =	vst v63  }
0x9a: {  	_ =	swait.ge [sflag:s29], $0x2000  }
.Ltmp1:
0x9b: {  	[sflag:s29] =	ssyncset.done $0x0;
	(pc) =	sbr.rel @p1 .LBB2_4-.Ltmp1, $4  }
0x9c: {  	[sflag:s29] =	ssyncadd.s32 $0xFFFFE000  }
0x9d: {  	[spmem:s5] =	stream.indirect.scatter.add.f32 [tilespmem:s30], [sflag:$0x3], $0x8, s14, s8, $0xb8;
	[tilespmem:$0x1DEA8] =	vst v63  }
0x9e: {  	_ =	swait.ge [sflag:s29], $0x200  }
0x9f: {  	s15 =	smov.u32 s18;
	s14 =	sshra.s32 s17, $0x2;
	[sflag:s29] =	ssyncset.done $0x0  }
0xa0: {  	s15 =	sadd.s32 $0xE0, s14;
	[sflag:s29] =	ssyncadd.s32 $0xFFFFFE00  }
0xa1: {  	[tilespmem:s0], [sflag:$0x2] =	stream.indirect.gather [hbm4b:s1+s8], $0x80, s15, s8, $0xb8;
	[tilespmem:$0x1DEA8] =	vst v63  }
0xa2: {  	_ =	swait.ge [sflag:s2], $0x2000  }
0xa3: {  	[sflag:s2] =	ssyncset.done $0x0  }
0xa4: {  	s18 =	sadd.s32 $0x28A0, s14;
	[sflag:s2] =	ssyncadd.s32 $0xFFFFE000  }
0xa5: {  	[spmem:s4] =	stream.indirect.scatter.add.f32 [tilespmem:s28], [sflag:$0x3], $0x80, s18, s8, $0xb8;
	[tilespmem:$0x1DEA8] =	vst v63  }
0xa6: {  	_ =	swait.ge [sflag:s29], $0x2000  }
0xa7: {  	[sflag:s29] =	ssyncset.done $0x0  }
0xa8: {  	[sflag:s29] =	ssyncadd.s32 $0xFFFFE000  }
0xa9: {  	[spmem:s5] =	stream.indirect.scatter.add.f32 [tilespmem:s30], [sflag:$0x3], $0x8, s18, s8, $0xb8;
	[tilespmem:$0x1DEA8] =	vst v63  }
0xaa: {  	_ =	swait.ge [sflag:s29], $0x200  }
0xab: {  	[sflag:s29] =	ssyncset.done $0x0  }
0xac: {  	s16 =	sadd.s32 $0x120, s14;
	[sflag:s29] =	ssyncadd.s32 $0xFFFFFE00  }
0xad: {  	[tilespmem:s28], [sflag:$0x1] =	stream.indirect.gather [hbm4b:s1+s8], $0x80, s16, s8, $0xb8;
	[tilespmem:$0x1DEA8] =	vst v63  }
0xae: {  	_ =	swait.ge [sflag:s10], $0x2000  }
0xaf: {  	[sflag:s10] =	ssyncset.done $0x0  }
0xb0: {  	s17 =	sadd.s32 $0x28E0, s14;
	[sflag:s10] =	ssyncadd.s32 $0xFFFFE000  }
0xb1: {  	[spmem:s4] =	stream.indirect.scatter.add.f32 [tilespmem:s0], [sflag:$0x3], $0x80, s17, s8, $0xb8;
	[tilespmem:$0x1DEA8] =	vst v63  }
0xb2: {  	_ =	swait.ge [sflag:s29], $0x2000  }
0xb3: {  	[sflag:s29] =	ssyncset.done $0x0  }
0xb4: {  	[sflag:s29] =	ssyncadd.s32 $0xFFFFE000  }
0xb5: {  	[spmem:s5] =	stream.indirect.scatter.add.f32 [tilespmem:s30], [sflag:$0x3], $0x8, s17, s8, $0xb8;
	[tilespmem:$0x1DEA8] =	vst v63  }
0xb6: {  	_ =	swait.ge [sflag:s29], $0x200  }
0xb7: {  	[sflag:s29] =	ssyncset.done $0x0  }
0xb8: {  	s18 =	simm.s32 $0x2860;
	[sflag:s29] =	ssyncadd.s32 $0xFFFFFE00  }
0xb9: {  	[tilespmem:s0], [sflag:$0x2] =	stream.indirect.gather [hbm4b:s1+s8], $0x80, s18, s8, $0xb8;
	[tilespmem:$0x1DEA8] =	vst v63  }
0xba: {  	_ =	swait.ge [sflag:s2], $0x2000  }
0xbb: {  	[sflag:s2] =	ssyncset.done $0x0  }
0xbc: {  	[sflag:s2] =	ssyncadd.s32 $0xFFFFE000  }
0xbd: {  	[spmem:s4] =	stream.indirect.scatter.add.f32 [tilespmem:s28], [sflag:$0x3], $0x80, s11, s8, $0xb8;
	[tilespmem:$0x1DEA8] =	vst v63  }
0xbe: {  	_ =	swait.ge [sflag:s29], $0x2000  }
0xbf: {  	[sflag:s29] =	ssyncset.done $0x0  }
0xc0: {  	[sflag:s29] =	ssyncadd.s32 $0xFFFFE000  }
0xc1: {  	[spmem:s5] =	stream.indirect.scatter.add.f32 [tilespmem:s30], [sflag:$0x3], $0x8, s11, s8, $0xb8;
	[tilespmem:$0x1DEA8] =	vst v63  }
0xc2: {  	_ =	swait.ge [sflag:s29], $0x200  }
0xc3: {  	[sflag:s29] =	ssyncset.done $0x0  }
0xc4: {  	[sflag:s29] =	ssyncadd.s32 $0xFFFFFE00  }
0xc5: {  	_ =	swait.ge [sflag:s10], $0x2000  }
0xc6: {  	[sflag:s10] =	ssyncset.done $0x0  }
0xc7: {  	[sflag:s10] =	ssyncadd.s32 $0xFFFFE000  }
0xc8: {  	[spmem:s4] =	stream.indirect.scatter.add.f32 [tilespmem:s0], [sflag:$0x3], $0x80, s12, s8, $0xb8;
	[tilespmem:$0x1DEA8] =	vst v63  }
0xc9: {  	_ =	swait.ge [sflag:s29], $0x2000  }
0xca: {  	[sflag:s29] =	ssyncset.done $0x0  }
0xcb: {  	[sflag:s29] =	ssyncadd.s32 $0xFFFFE000  }
0xcc: {  	[spmem:s5] =	stream.indirect.scatter.add.f32 [tilespmem:s30], [sflag:$0x3], $0x8, s12, s8, $0xb8;
	[tilespmem:$0x1DEA8] =	vst v63  }
0xcd: {  	_ =	swait.ge [sflag:s29], $0x200  }
0xce: {  	[sflag:s29] =	ssyncset.done $0x0  }
0xcf: {  	s18 =	stileid.u32;
	[sflag:s29] =	ssyncadd.s32 $0xFFFFFE00  }
0xd0: {  	s15 =	sshll.u32 s18, $0x6;
	[bflag:$0x0] =	sbarrier.arrive $0xFFFF  }
0xd1: {  	s14 =	sor.u32 $0x1C03, s15;
	s16 =	rddreg [dreg:$0xa]  }
0xd2: {  	[hbm:s16], [sflag:s14] =	dma.local [spmem:s24], $0x2710  }
0xd3: {  	_ =	swait.ge [sflag:s29], $0x2710  }
0xd4: {  	[sflag:s29] =	ssyncset.done $0x0  }
0xd5: {  	s15 =	rddreg [dreg:$0xb];
	[sflag:s29] =	ssyncadd.s32 $0xFFFFD8F0  }
0xd6: {  	[hbm:s15], [sflag:s14] =	dma.local @!p0 [spmem:s25], $0x7D0  }
0xd7: {  	s14 =	simm.s32 @!p0 $0x3  }
0xd8: {  	_ =	swait.ge @!p0 [sflag:s14], $0x7D0  }
0xd9: {  	s13 =	sadd.s32 $0x1, s13;
	s17 =	rddreg [dreg:$0xc]  }
0xda: {  	p1 =	sne.s32 s13, s17  }
.Ltmp2:
0xdb: {  	_ = 	snop;
	(pc) =	sbr.rel @p1 .LBB2_1-.Ltmp2, $3  }
0xdc: {  	_ =	sdelay $0x1  }
0xdd: {  	[sflag:s14] =	ssyncset.done @!p0 $0x0  }
0xde: {  	[sflag:s14] =	ssyncadd.s32 @!p0 $0xFFFFF830  }
0xdf: {  	_ =	sfence.sel $0x180000  }
0xe0: {  	[bflag:$0x0] =	sbarrier.arrive $0xFFFF  }
0xe1: {  	_ =	strace $0x90000047  }
0xe2: {  	[bflag:$0x2] =	sbarrier.arrive $0xFFFF  }
0xe3: {  	p0 =	sne.s32 s18, $0x0;
	s0 =	rddreg [dreg:$0x5]  }
0xe4: {  	s0 =	sadd.s32 @!p0 $0x100000, s0  }
0xe5: {  	[sflag:s0] =	ssyncadd.tile.s32 @!p0 $0x1;
	_ =	shalt  }
.Lfunc_end2:
_tile_overlayer_lowered:
.L_overlay_start_2:
0xe6: {  	(tag) =	ssettag $0x2  }
0xe7: {  	s0 =	rddreg [dreg:$0x0];
	s2 =	stileid.u32  }
0xe8: {  	s1 =	rddreg [dreg:$0x1];
	p0 =	sne.s32 s2, $0x0  }
0xe9: {  	s3 =	rddreg [dreg:$0x2];
	[bflag:$0x3] =	sbarrier.arrive $0xFFFF;
	s2 =	simm.s32 @!p0 $0x1C03  }
0xea: {  	[timem:s3], [sflag:s2] =	dma.local @!p0 [hbm:s0], s1  }
0xeb: {  	s0 =	simm.s32 @!p0 $0x3  }
0xec: {  	_ =	swait.ge @!p0 [sflag:s0], s1  }
0xed: {  	s1 =	ssub.s32 @!p0 $0x0, s1;
	[sflag:s0] =	ssyncset.done @!p0 $0x0  }
0xee: {  	[sflag:s0] =	ssyncadd.s32 @!p0 s1  }
0xef: {  	[bflag:$0x3] =	sbarrier.arrive $0xFFFF  }
0xf0: {  	_ =	shalt  }

</sc_bundles>
